<compile_context>
chip_gen: v7x
topology: tpu7x:2x2x1
jax: 0.10.2.dev20260603
libtpu: 0.0.44.dev20260713+nightly
codegen_flags: <defaults>
</compile_context>

<pallas_src>
import functools

import jax
import jax.numpy as jnp
from jax import lax
from jax.experimental import pallas as pl
from jax.experimental.pallas import tpu as pltpu
from jax.experimental.pallas import tpu_sc as plsc

N_NODES_K = 10000
D_IN_K = 128
N_GCNS_K = 4
D_CAT_K = N_GCNS_K * 128
N_EDGES_K = 320000

NC, NS = 2, 16
NW = NC * NS
CHUNK = 128
NCHT = 78
NCH_ALL = N_EDGES_K // CHUNK
NP = 10240
ACC_ROWS = NP
ZPT = NP // NS
NSLOT = 6

_mesh = plsc.VectorSubcoreMesh(core_axis_name="c", subcore_axis_name="s")


@functools.partial(
    pl.kernel,
    out_type=jax.ShapeDtypeStruct((NC, NP, 128), jnp.float32),
    mesh=_mesh,
    scratch_types=(
        [pltpu.VMEM((CHUNK, 128), jnp.float32),
         pltpu.VMEM_SHARED((ACC_ROWS, 128), jnp.float32)]
        + [pltpu.VMEM((CHUNK,), jnp.int32) for _ in range(NSLOT)]
        + [pltpu.SemaphoreType.DMA for _ in range(2 * NSLOT)]
    ),
)
def _sc_hist(e_hbm, ones_hbm, zeros_hbm, deg_hbm, ones_v, acc_sh, *rest):
    idxs = rest[:NSLOT]
    semd = rest[NSLOT:2 * NSLOT]
    semsc = rest[2 * NSLOT:]
    c = lax.axis_index("c")
    s = lax.axis_index("s")
    wid = s * NC + c
    base_e = (wid * NCHT + jnp.minimum(wid, 4)) * CHUNK
    pltpu.sync_copy(ones_hbm, ones_v)
    pltpu.sync_copy(zeros_hbm.at[pl.ds(s * ZPT, ZPT)], acc_sh.at[pl.ds(s * ZPT, ZPT)])
    plsc.subcore_barrier()

    def dst_at(j):
        return e_hbm.at[1, pl.ds(base_e + j * CHUNK, CHUNK)]

    def group(g, carry):
        j0 = g * NSLOT
        for k in range(NSLOT):
            pltpu.async_copy(dst_at(j0 + k), idxs[k], semd[k])
        for k in range(NSLOT):
            pltpu.make_async_copy(dst_at(j0 + k), idxs[k], semd[k]).wait()
            pltpu.async_copy(ones_v, acc_sh.at[idxs[k]], semsc[k], add=True)
        for k in range(NSLOT):
            pltpu.make_async_copy(ones_v, acc_sh.at[idxs[k]], semsc[k]).wait()
        return carry

    lax.fori_loop(0, NCHT // NSLOT, group, 0)

    @pl.when(wid < 4)
    def _():
        pltpu.sync_copy(dst_at(NCHT), idxs[0])
        pltpu.sync_copy(ones_v, acc_sh.at[idxs[0]], add=True)

    plsc.subcore_barrier()
    pltpu.sync_copy(acc_sh.at[pl.ds(s * ZPT, ZPT)], deg_hbm.at[c, pl.ds(s * ZPT, ZPT)])


@functools.partial(
    pl.kernel,
    out_type=jax.ShapeDtypeStruct((NC, NP, D_IN_K), jnp.float32),
    mesh=_mesh,
    scratch_types=[
        pltpu.VMEM(((NCHT + 1) * CHUNK,), jnp.int32),
        pltpu.VMEM((CHUNK,), jnp.int32),
        pltpu.VMEM((CHUNK,), jnp.int32),
        pltpu.VMEM((CHUNK, D_IN_K), jnp.float32),
        pltpu.VMEM((CHUNK, D_IN_K), jnp.float32),
        pltpu.VMEM_SHARED((ACC_ROWS, D_IN_K), jnp.float32),
        pltpu.SemaphoreType.DMA,
        pltpu.SemaphoreType.DMA,
        pltpu.SemaphoreType.DMA,
        pltpu.SemaphoreType.DMA,
    ],
)
def _sc_agg(e_hbm, xp_hbm, p_hbm, src_v, idxd0, idxd1, buf0, buf1,
            acc_sh, semg0, semg1, semd0, semd1):
    c = lax.axis_index("c")
    s = lax.axis_index("s")
    wid = s * NC + c
    base_e = (wid * NCHT + jnp.minimum(wid, 4)) * CHUNK
    pltpu.sync_copy(e_hbm.at[0, pl.ds(base_e, NCHT * CHUNK)],
                    src_v.at[pl.ds(0, NCHT * CHUNK)])
    pltpu.sync_copy(xp_hbm.at[pl.ds(s * ZPT, ZPT)], acc_sh.at[pl.ds(s * ZPT, ZPT)])
    plsc.subcore_barrier()

    def fire_g(j, buf, sem):
        pltpu.async_copy(xp_hbm.at[src_v.at[pl.ds(j * CHUNK, CHUNK)]], buf, sem)

    def wait_g(j, buf, sem):
        pltpu.make_async_copy(xp_hbm.at[src_v.at[pl.ds(j * CHUNK, CHUNK)]],
                              buf, sem).wait()

    def fire_d(j, idxd, sem):
        pltpu.async_copy(e_hbm.at[1, pl.ds(base_e + j * CHUNK, CHUNK)], idxd, sem)

    def wait_d(j, idxd, sem):
        pltpu.make_async_copy(e_hbm.at[1, pl.ds(base_e + j * CHUNK, CHUNK)],
                              idxd, sem).wait()

    def scat(buf, idxd):
        pltpu.sync_copy(buf, acc_sh.at[idxd], add=True)

    fire_d(0, idxd0, semd0)
    fire_d(1, idxd1, semd1)
    fire_g(0, buf0, semg0)

    def body(jj, carry):
        j0 = 2 * jj
        j1 = j0 + 1
        fire_g(j1, buf1, semg1)
        wait_g(j0, buf0, semg0)
        wait_d(j0, idxd0, semd0)
        scat(buf0, idxd0)

        @pl.when(jj < NCHT // 2 - 1)
        def _():
            fire_d(j0 + 2, idxd0, semd0)
            fire_g(j0 + 2, buf0, semg0)

        wait_g(j1, buf1, semg1)
        wait_d(j1, idxd1, semd1)
        scat(buf1, idxd1)

        @pl.when(jj < NCHT // 2 - 1)
        def _():
            fire_d(j1 + 2, idxd1, semd1)

        return carry

    lax.fori_loop(0, NCHT // 2, body, 0)

    @pl.when(wid < 4)
    def _():
        pltpu.sync_copy(e_hbm.at[0, pl.ds(base_e + NCHT * CHUNK, CHUNK)],
                        src_v.at[pl.ds(NCHT * CHUNK, CHUNK)])
        pltpu.sync_copy(e_hbm.at[1, pl.ds(base_e + NCHT * CHUNK, CHUNK)], idxd0)
        pltpu.async_copy(xp_hbm.at[src_v.at[pl.ds(NCHT * CHUNK, CHUNK)]],
                         buf0, semg0).wait()
        pltpu.sync_copy(buf0, acc_sh.at[idxd0], add=True)

    plsc.subcore_barrier()
    pltpu.sync_copy(acc_sh.at[pl.ds(s * ZPT, ZPT)], p_hbm.at[c, pl.ds(s * ZPT, ZPT)])


_BLK = 1000
_PBLK = 1024


def _tc_prep_body(x_ref, deg_ref, xp_ref, dis_ref):
    deg = deg_ref[0][:, :1] + deg_ref[1][:, :1] + 1.0
    dis = lax.rsqrt(deg)
    dis_ref[...] = dis
    xp_ref[...] = x_ref[...] * dis


def _tc_prep(x, deg2):
    return pl.pallas_call(
        _tc_prep_body,
        grid=(N_NODES_K // _BLK,),
        in_specs=[
            pl.BlockSpec((_BLK, D_IN_K), lambda i: (i, 0)),
            pl.BlockSpec((NC, _BLK, 128), lambda i: (0, i, 0)),
        ],
        out_specs=[
            pl.BlockSpec((_BLK, D_IN_K), lambda i: (i, 0)),
            pl.BlockSpec((_BLK, 1), lambda i: (i, 0)),
        ],
        out_shape=[
            jax.ShapeDtypeStruct((NP, D_IN_K), jnp.float32),
            jax.ShapeDtypeStruct((N_NODES_K, 1), jnp.float32),
        ],
    )(x, deg2)


def _tc_tail_body(p_ref, xp_ref, dis_ref, wc_ref, bc_ref, w1_ref, b1_ref,
                  w2_ref, b2_ref, o_ref):
    bf = jnp.bfloat16
    xa = (p_ref[0] + p_ref[1] - xp_ref[...]) * dis_ref[...]
    h = jnp.tanh(jnp.dot(xa.astype(bf), wc_ref[...],
                         preferred_element_type=jnp.float32) + bc_ref[...])
    y = jnp.tanh(jnp.dot(h.astype(bf), w1_ref[...],
                         preferred_element_type=jnp.float32) + b1_ref[...])
    o_ref[...] = jnp.tanh(jnp.dot(y.astype(bf), w2_ref[...],
                                  preferred_element_type=jnp.float32) + b2_ref[...])


def _tc_tail(p, xp, dis, wc, bc, w1, b1, w2, b2):
    const = lambda i: (0, 0)
    return pl.pallas_call(
        _tc_tail_body,
        grid=(N_NODES_K // _BLK,),
        in_specs=[
            pl.BlockSpec((NC, _BLK, D_IN_K), lambda i: (0, i, 0)),
            pl.BlockSpec((_BLK, D_IN_K), lambda i: (i, 0)),
            pl.BlockSpec((_BLK, 1), lambda i: (i, 0)),
            pl.BlockSpec((D_IN_K, D_CAT_K), const),
            pl.BlockSpec((1, D_CAT_K), const),
            pl.BlockSpec((D_CAT_K, D_CAT_K), const),
            pl.BlockSpec((1, D_CAT_K), const),
            pl.BlockSpec((D_CAT_K, D_CAT_K), const),
            pl.BlockSpec((1, D_CAT_K), const),
        ],
        out_specs=pl.BlockSpec((_BLK, D_CAT_K), lambda i: (i, 0)),
        out_shape=jax.ShapeDtypeStruct((N_NODES_K, D_CAT_K), jnp.float32),
    )(p, xp, dis, wc, bc, w1, b1, w2, b2)


def kernel(x, edge_index, gcn_W, gcn_b, mlp1_W, mlp1_b, mlp2_W, mlp2_b):
    ones = jnp.ones((CHUNK, 128), jnp.float32)
    zeros = jnp.zeros((ACC_ROWS, 128), jnp.float32)
    deg2 = _sc_hist(edge_index, ones, zeros)
    xp, dis = _tc_prep(x, deg2)
    p = _sc_agg(edge_index, xp)

    wc = jnp.transpose(gcn_W, (1, 0, 2)).reshape(D_IN_K, D_CAT_K)
    bc = gcn_b.reshape(1, D_CAT_K)
    return _tc_tail(p, xp, dis, wc.astype(jnp.bfloat16), bc,
                    mlp1_W.astype(jnp.bfloat16), mlp1_b.reshape(1, D_CAT_K),
                    mlp2_W.astype(jnp.bfloat16), mlp2_b.reshape(1, D_CAT_K))

# --- scband reference (transcript-rebuilt; emitter-appended) ---
"""Pipeline reference for scband-graph-hist-encoder-44856638439771 (READ-ONLY COPY).

The authoritative reference and input builder live on the scoring server;
editing this copy changes nothing except your own understanding.
"""

import jax, jax.numpy as jnp
import numpy as np

N_NODES = 10000
N_EDGES = 320000
D_IN = 128
HID = 128
N_GCNS = 4
D_CAT = N_GCNS * HID


def _gcn_conv(x, src, dst, W, b, num_nodes):
    # PyG GCNConv default: add self-loops, symmetric normalization
    loop = jnp.arange(num_nodes, dtype=src.dtype)
    src_f = jnp.concatenate([src, loop])
    dst_f = jnp.concatenate([dst, loop])
    deg = jnp.zeros((num_nodes,), x.dtype).at[dst_f].add(1.0)
    dis = jnp.where(deg > 0, 1.0 / jnp.sqrt(deg), 0.0)
    norm = dis[src_f] * dis[dst_f]
    h = x @ W
    msg = h[src_f] * norm[:, None]
    out = jnp.zeros((num_nodes, W.shape[1]), x.dtype).at[dst_f].add(msg)
    return out + b


def setup_inputs(seed: int = 0) -> dict:
    key = jax.random.key(seed)
    ks = jax.random.split(key, 8)
    x = jax.random.normal(ks[0], (N_NODES, D_IN), dtype=jnp.float32)
    edge_index = jax.random.randint(ks[1], (2, N_EDGES), 0, N_NODES, dtype=jnp.int32)
    s1 = 1.0 / np.sqrt(D_IN)
    s2 = 1.0 / np.sqrt(D_CAT)
    gcn_W = jax.random.uniform(ks[2], (N_GCNS, D_IN, HID), dtype=jnp.float32, minval=-s1, maxval=s1)
    gcn_b = jax.random.uniform(ks[3], (N_GCNS, HID), dtype=jnp.float32, minval=-s1, maxval=s1)
    mlp1_W = jax.random.uniform(ks[4], (D_CAT, D_CAT), dtype=jnp.float32, minval=-s2, maxval=s2)
    mlp1_b = jax.random.uniform(ks[5], (D_CAT,), dtype=jnp.float32, minval=-s2, maxval=s2)
    mlp2_W = jax.random.uniform(ks[6], (D_CAT, D_CAT), dtype=jnp.float32, minval=-s2, maxval=s2)
    mlp2_b = jax.random.uniform(ks[7], (D_CAT,), dtype=jnp.float32, minval=-s2, maxval=s2)
    return {"x": x, "edge_index": edge_index, "gcn_W": gcn_W, "gcn_b": gcn_b,
            "mlp1_W": mlp1_W, "mlp1_b": mlp1_b, "mlp2_W": mlp2_W, "mlp2_b": mlp2_b}


def reference(x, edge_index, gcn_W, gcn_b, mlp1_W, mlp1_b, mlp2_W, mlp2_b):
    src = edge_index[0]
    dst = edge_index[1]
    outs = [_gcn_conv(x, src, dst, gcn_W[i], gcn_b[i], N_NODES) for i in range(N_GCNS)]
    h = jnp.tanh(jnp.concatenate(outs, axis=1))
    c = jnp.tanh(jnp.tanh(h @ mlp1_W + mlp1_b) @ mlp2_W + mlp2_b)
    return c

if __name__ == "__main__":
    import jax
    _d = setup_inputs()
    print(jax.jit(kernel)(*tuple(_d.values())))

</pallas_src>

<mosaic_0001>
#map = affine_map<(d0, d1) -> (0, 0)>
#map1 = affine_map<(d0, d1) -> (0, 0, 0)>
module attributes {stable_mosaic.version = 14 : i64} {
  func.func @_sc_hist(%arg0: i32, %arg1: i32, %arg2: memref<2x320000xi32, #tpu.memory_space<hbm>>, %arg3: memref<128x128xf32, #tpu.memory_space<hbm>>, %arg4: memref<10240x128xf32, #tpu.memory_space<hbm>>, %arg5: memref<2x10240x128xf32, #tpu.memory_space<hbm>>, %arg6: memref<128x128xf32, #tpu.memory_space<vmem>>, %arg7: memref<10240x128xf32, #tpu.memory_space<vmem_shared>>, %arg8: memref<128xi32, #tpu.memory_space<vmem>>, %arg9: memref<128xi32, #tpu.memory_space<vmem>>, %arg10: memref<128xi32, #tpu.memory_space<vmem>>, %arg11: memref<128xi32, #tpu.memory_space<vmem>>, %arg12: memref<128xi32, #tpu.memory_space<vmem>>, %arg13: memref<128xi32, #tpu.memory_space<vmem>>, %arg14: memref<!tpu.dma_semaphore, #tpu.memory_space<semaphore_mem>>, %arg15: memref<!tpu.dma_semaphore, #tpu.memory_space<semaphore_mem>>, %arg16: memref<!tpu.dma_semaphore, #tpu.memory_space<semaphore_mem>>, %arg17: memref<!tpu.dma_semaphore, #tpu.memory_space<semaphore_mem>>, %arg18: memref<!tpu.dma_semaphore, #tpu.memory_space<semaphore_mem>>, %arg19: memref<!tpu.dma_semaphore, #tpu.memory_space<semaphore_mem>>, %arg20: memref<!tpu.dma_semaphore, #tpu.memory_space<semaphore_mem>>, %arg21: memref<!tpu.dma_semaphore, #tpu.memory_space<semaphore_mem>>, %arg22: memref<!tpu.dma_semaphore, #tpu.memory_space<semaphore_mem>>, %arg23: memref<!tpu.dma_semaphore, #tpu.memory_space<semaphore_mem>>, %arg24: memref<!tpu.dma_semaphore, #tpu.memory_space<semaphore_mem>>, %arg25: memref<!tpu.dma_semaphore, #tpu.memory_space<semaphore_mem>>) attributes {dimension_semantics = [#tpu.dimension_semantics<core_parallel>, #tpu.dimension_semantics<subcore_parallel>], iteration_bounds = array<i64: 2, 16>, scalar_prefetch = 0 : i64, scratch_operands = 20 : i64, tpu.core_type = #tpu.core_type<sc_vector_subcore>, window_params = [{transform_indices = #map}, {transform_indices = #map}, {transform_indices = #map}, {transform_indices = #map1}]} {
    %mul3A = arith.constant 2 : i32
    %mul3A_0 = arith.muli %arg1, %mul3A : i32
    %add3A = arith.addi %mul3A_0, %arg0 : i32
    %mul3A_1 = arith.constant 78 : i32
    %mul3A_2 = arith.muli %add3A, %mul3A_1 : i32
    %min3A = arith.constant 4 : i32
    %min3A_3 = arith.minsi %add3A, %min3A : i32
    %add3A_4 = arith.addi %mul3A_2, %min3A_3 : i32
    %mul3A_5 = arith.constant 128 : i32
    %mul3A_6 = arith.muli %add3A_4, %mul3A_5 : i32
    "tpu.region"() ({
      %run_scoped3A = tpu.sem_alloc : memref<!tpu.dma_semaphore, #tpu.memory_space<semaphore_mem>>
      tpu.enqueue_dma source(%arg3 : memref<128x128xf32, #tpu.memory_space<hbm>>) target(%arg6 : memref<128x128xf32, #tpu.memory_space<vmem>>) target_semaphore(%run_scoped3A : memref<!tpu.dma_semaphore, #tpu.memory_space<semaphore_mem>>)
      tpu.wait_dma2 semaphore(%run_scoped3A : memref<!tpu.dma_semaphore, #tpu.memory_space<semaphore_mem>>) src(%arg3 : memref<128x128xf32, #tpu.memory_space<hbm>>) dst(%arg6 : memref<128x128xf32, #tpu.memory_space<vmem>>)
      tpu.yield
    }) : () -> ()
    %mul3A_7 = arith.constant 640 : i32
    %mul3A_8 = arith.muli %arg1, %mul3A_7 : i32
    %mul3A_9 = arith.constant 640 : i32
    %mul3A_10 = arith.muli %arg1, %mul3A_9 : i32
    "tpu.region"() ({
      %run_scoped3A = tpu.sem_alloc : memref<!tpu.dma_semaphore, #tpu.memory_space<semaphore_mem>>
      %dma_start3A = arith.constant 0 : i32
      %dma_start3A_23 = tpu.memref_slice %arg7[%mul3A_10, %dma_start3A] : memref<10240x128xf32, #tpu.memory_space<vmem_shared>> -> memref<640x128xf32, #tpu.memory_space<vmem_shared>>
      %dma_start3A_24 = arith.constant 0 : i32
      %dma_start3A_25 = tpu.memref_slice %arg4[%mul3A_8, %dma_start3A_24] : memref<10240x128xf32, #tpu.memory_space<hbm>> -> memref<640x128xf32, #tpu.memory_space<hbm>>
      tpu.enqueue_dma source(%dma_start3A_25 : memref<640x128xf32, #tpu.memory_space<hbm>>) target(%dma_start3A_23 : memref<640x128xf32, #tpu.memory_space<vmem_shared>>) target_semaphore(%run_scoped3A : memref<!tpu.dma_semaphore, #tpu.memory_space<semaphore_mem>>)
      %dma_wait3A = arith.constant 0 : i32
      %dma_wait3A_26 = tpu.memref_slice %arg7[%mul3A_10, %dma_wait3A] : memref<10240x128xf32, #tpu.memory_space<vmem_shared>> -> memref<640x128xf32, #tpu.memory_space<vmem_shared>>
      %dma_wait3A_27 = arith.constant 0 : i32
      %dma_wait3A_28 = tpu.memref_slice %arg4[%mul3A_8, %dma_wait3A_27] : memref<10240x128xf32, #tpu.memory_space<hbm>> -> memref<640x128xf32, #tpu.memory_space<hbm>>
      tpu.wait_dma2 semaphore(%run_scoped3A : memref<!tpu.dma_semaphore, #tpu.memory_space<semaphore_mem>>) src(%dma_wait3A_28 : memref<640x128xf32, #tpu.memory_space<hbm>>) dst(%dma_wait3A_26 : memref<640x128xf32, #tpu.memory_space<vmem_shared>>)
      tpu.yield
    }) : () -> ()
    %barrier3A = arith.constant 0 : index
    tpu.barrier barrier_id(%barrier3A)
    %scan3A = arith.constant 0 : i32
    %scan3A_11 = arith.constant 0 : i32
    %scan3A_12 = arith.constant 13 : i32
    %scan3A_13 = arith.addi %scan3A_11, %scan3A_12 : i32
    %scan3A_14 = arith.constant 1 : i32
    scf.for %scan3A_23 = %scan3A_11 to %scan3A_13 step %scan3A_14  : i32 {
      %mul3A_24 = arith.constant 6 : i32
      %mul3A_25 = arith.muli %scan3A_23, %mul3A_24 : i32
      %add3A_26 = arith.constant 0 : i32
      %add3A_27 = arith.addi %mul3A_25, %add3A_26 : i32
      %mul3A_28 = arith.constant 128 : i32
      %mul3A_29 = arith.muli %add3A_27, %mul3A_28 : i32
      %add3A_30 = arith.addi %mul3A_6, %mul3A_29 : i32
      %dma_start3A = arith.constant 1 : i32
      %dma_start3A_31 = tpu.memref_slice %arg2[%dma_start3A, %add3A_30] : memref<2x320000xi32, #tpu.memory_space<hbm>> -> memref<1x128xi32, #tpu.memory_space<hbm>>
      %dma_start3A_32 = tpu.memref_squeeze %dma_start3A_31 : memref<1x128xi32, #tpu.memory_space<hbm>> -> memref<128xi32, #tpu.memory_space<hbm>>
      %dma_start3A_33 = tpu.memref_slice %arg2[%dma_start3A, %add3A_30] : memref<2x320000xi32, #tpu.memory_space<hbm>> -> memref<1x128xi32, #tpu.memory_space<hbm>>
      %dma_start3A_34 = tpu.memref_squeeze %dma_start3A_33 : memref<1x128xi32, #tpu.memory_space<hbm>> -> memref<128xi32, #tpu.memory_space<hbm>>
      tpu.enqueue_dma source(%dma_start3A_34 : memref<128xi32, #tpu.memory_space<hbm>>) target(%arg8 : memref<128xi32, #tpu.memory_space<vmem>>) target_semaphore(%arg14 : memref<!tpu.dma_semaphore, #tpu.memory_space<semaphore_mem>>)
      %add3A_35 = arith.constant 1 : i32
      %add3A_36 = arith.addi %mul3A_25, %add3A_35 : i32
      %mul3A_37 = arith.constant 128 : i32
      %mul3A_38 = arith.muli %add3A_36, %mul3A_37 : i32
      %add3A_39 = arith.addi %mul3A_6, %mul3A_38 : i32
      %dma_start3A_40 = arith.constant 1 : i32
      %dma_start3A_41 = tpu.memref_slice %arg2[%dma_start3A_40, %add3A_39] : memref<2x320000xi32, #tpu.memory_space<hbm>> -> memref<1x128xi32, #tpu.memory_space<hbm>>
      %dma_start3A_42 = tpu.memref_squeeze %dma_start3A_41 : memref<1x128xi32, #tpu.memory_space<hbm>> -> memref<128xi32, #tpu.memory_space<hbm>>
      %dma_start3A_43 = tpu.memref_slice %arg2[%dma_start3A_40, %add3A_39] : memref<2x320000xi32, #tpu.memory_space<hbm>> -> memref<1x128xi32, #tpu.memory_space<hbm>>
      %dma_start3A_44 = tpu.memref_squeeze %dma_start3A_43 : memref<1x128xi32, #tpu.memory_space<hbm>> -> memref<128xi32, #tpu.memory_space<hbm>>
      tpu.enqueue_dma source(%dma_start3A_44 : memref<128xi32, #tpu.memory_space<hbm>>) target(%arg9 : memref<128xi32, #tpu.memory_space<vmem>>) target_semaphore(%arg15 : memref<!tpu.dma_semaphore, #tpu.memory_space<semaphore_mem>>)
      %add3A_45 = arith.constant 2 : i32
      %add3A_46 = arith.addi %mul3A_25, %add3A_45 : i32
      %mul3A_47 = arith.constant 128 : i32
      %mul3A_48 = arith.muli %add3A_46, %mul3A_47 : i32
      %add3A_49 = arith.addi %mul3A_6, %mul3A_48 : i32
      %dma_start3A_50 = arith.constant 1 : i32
      %dma_start3A_51 = tpu.memref_slice %arg2[%dma_start3A_50, %add3A_49] : memref<2x320000xi32, #tpu.memory_space<hbm>> -> memref<1x128xi32, #tpu.memory_space<hbm>>
      %dma_start3A_52 = tpu.memref_squeeze %dma_start3A_51 : memref<1x128xi32, #tpu.memory_space<hbm>> -> memref<128xi32, #tpu.memory_space<hbm>>
      %dma_start3A_53 = tpu.memref_slice %arg2[%dma_start3A_50, %add3A_49] : memref<2x320000xi32, #tpu.memory_space<hbm>> -> memref<1x128xi32, #tpu.memory_space<hbm>>
      %dma_start3A_54 = tpu.memref_squeeze %dma_start3A_53 : memref<1x128xi32, #tpu.memory_space<hbm>> -> memref<128xi32, #tpu.memory_space<hbm>>
      tpu.enqueue_dma source(%dma_start3A_54 : memref<128xi32, #tpu.memory_space<hbm>>) target(%arg10 : memref<128xi32, #tpu.memory_space<vmem>>) target_semaphore(%arg16 : memref<!tpu.dma_semaphore, #tpu.memory_space<semaphore_mem>>)
      %add3A_55 = arith.constant 3 : i32
      %add3A_56 = arith.addi %mul3A_25, %add3A_55 : i32
      %mul3A_57 = arith.constant 128 : i32
      %mul3A_58 = arith.muli %add3A_56, %mul3A_57 : i32
      %add3A_59 = arith.addi %mul3A_6, %mul3A_58 : i32
      %dma_start3A_60 = arith.constant 1 : i32
      %dma_start3A_61 = tpu.memref_slice %arg2[%dma_start3A_60, %add3A_59] : memref<2x320000xi32, #tpu.memory_space<hbm>> -> memref<1x128xi32, #tpu.memory_space<hbm>>
      %dma_start3A_62 = tpu.memref_squeeze %dma_start3A_61 : memref<1x128xi32, #tpu.memory_space<hbm>> -> memref<128xi32, #tpu.memory_space<hbm>>
      %dma_start3A_63 = tpu.memref_slice %arg2[%dma_start3A_60, %add3A_59] : memref<2x320000xi32, #tpu.memory_space<hbm>> -> memref<1x128xi32, #tpu.memory_space<hbm>>
      %dma_start3A_64 = tpu.memref_squeeze %dma_start3A_63 : memref<1x128xi32, #tpu.memory_space<hbm>> -> memref<128xi32, #tpu.memory_space<hbm>>
      tpu.enqueue_dma source(%dma_start3A_64 : memref<128xi32, #tpu.memory_space<hbm>>) target(%arg11 : memref<128xi32, #tpu.memory_space<vmem>>) target_semaphore(%arg17 : memref<!tpu.dma_semaphore, #tpu.memory_space<semaphore_mem>>)
      %add3A_65 = arith.constant 4 : i32
      %add3A_66 = arith.addi %mul3A_25, %add3A_65 : i32
      %mul3A_67 = arith.constant 128 : i32
      %mul3A_68 = arith.muli %add3A_66, %mul3A_67 : i32
      %add3A_69 = arith.addi %mul3A_6, %mul3A_68 : i32
      %dma_start3A_70 = arith.constant 1 : i32
      %dma_start3A_71 = tpu.memref_slice %arg2[%dma_start3A_70, %add3A_69] : memref<2x320000xi32, #tpu.memory_space<hbm>> -> memref<1x128xi32, #tpu.memory_space<hbm>>
      %dma_start3A_72 = tpu.memref_squeeze %dma_start3A_71 : memref<1x128xi32, #tpu.memory_space<hbm>> -> memref<128xi32, #tpu.memory_space<hbm>>
      %dma_start3A_73 = tpu.memref_slice %arg2[%dma_start3A_70, %add3A_69] : memref<2x320000xi32, #tpu.memory_space<hbm>> -> memref<1x128xi32, #tpu.memory_space<hbm>>
      %dma_start3A_74 = tpu.memref_squeeze %dma_start3A_73 : memref<1x128xi32, #tpu.memory_space<hbm>> -> memref<128xi32, #tpu.memory_space<hbm>>
      tpu.enqueue_dma source(%dma_start3A_74 : memref<128xi32, #tpu.memory_space<hbm>>) target(%arg12 : memref<128xi32, #tpu.memory_space<vmem>>) target_semaphore(%arg18 : memref<!tpu.dma_semaphore, #tpu.memory_space<semaphore_mem>>)
      %add3A_75 = arith.constant 5 : i32
      %add3A_76 = arith.addi %mul3A_25, %add3A_75 : i32
      %mul3A_77 = arith.constant 128 : i32
      %mul3A_78 = arith.muli %add3A_76, %mul3A_77 : i32
      %add3A_79 = arith.addi %mul3A_6, %mul3A_78 : i32
      %dma_start3A_80 = arith.constant 1 : i32
      %dma_start3A_81 = tpu.memref_slice %arg2[%dma_start3A_80, %add3A_79] : memref<2x320000xi32, #tpu.memory_space<hbm>> -> memref<1x128xi32, #tpu.memory_space<hbm>>
      %dma_start3A_82 = tpu.memref_squeeze %dma_start3A_81 : memref<1x128xi32, #tpu.memory_space<hbm>> -> memref<128xi32, #tpu.memory_space<hbm>>
      %dma_start3A_83 = tpu.memref_slice %arg2[%dma_start3A_80, %add3A_79] : memref<2x320000xi32, #tpu.memory_space<hbm>> -> memref<1x128xi32, #tpu.memory_space<hbm>>
      %dma_start3A_84 = tpu.memref_squeeze %dma_start3A_83 : memref<1x128xi32, #tpu.memory_space<hbm>> -> memref<128xi32, #tpu.memory_space<hbm>>
      tpu.enqueue_dma source(%dma_start3A_84 : memref<128xi32, #tpu.memory_space<hbm>>) target(%arg13 : memref<128xi32, #tpu.memory_space<vmem>>) target_semaphore(%arg19 : memref<!tpu.dma_semaphore, #tpu.memory_space<semaphore_mem>>)
      %add3A_85 = arith.constant 0 : i32
      %add3A_86 = arith.addi %mul3A_25, %add3A_85 : i32
      %mul3A_87 = arith.constant 128 : i32
      %mul3A_88 = arith.muli %add3A_86, %mul3A_87 : i32
      %add3A_89 = arith.addi %mul3A_6, %mul3A_88 : i32
      %dma_wait3A = arith.constant 1 : i32
      %dma_wait3A_90 = tpu.memref_slice %arg2[%dma_wait3A, %add3A_89] : memref<2x320000xi32, #tpu.memory_space<hbm>> -> memref<1x128xi32, #tpu.memory_space<hbm>>
      %dma_wait3A_91 = tpu.memref_squeeze %dma_wait3A_90 : memref<1x128xi32, #tpu.memory_space<hbm>> -> memref<128xi32, #tpu.memory_space<hbm>>
      %dma_wait3A_92 = tpu.memref_slice %arg2[%dma_wait3A, %add3A_89] : memref<2x320000xi32, #tpu.memory_space<hbm>> -> memref<1x128xi32, #tpu.memory_space<hbm>>
      %dma_wait3A_93 = tpu.memref_squeeze %dma_wait3A_92 : memref<1x128xi32, #tpu.memory_space<hbm>> -> memref<128xi32, #tpu.memory_space<hbm>>
      tpu.wait_dma2 semaphore(%arg14 : memref<!tpu.dma_semaphore, #tpu.memory_space<semaphore_mem>>) src(%dma_wait3A_93 : memref<128xi32, #tpu.memory_space<hbm>>) dst(%arg8 : memref<128xi32, #tpu.memory_space<vmem>>)
      %dma_start3A_94 = arith.constant 0 : i32
      %dma_start3A_95 = arith.constant 0 : i32
      %dma_start3A_96 = tpu.memref_slice %arg7[%dma_start3A_94, %dma_start3A_95] : memref<10240x128xf32, #tpu.memory_space<vmem_shared>> -> memref<10240x128xf32, #tpu.memory_space<vmem_shared>>
      tpu.enqueue_indirect_dma source(%arg6 : memref<128x128xf32, #tpu.memory_space<vmem>>) target(%dma_start3A_96 : memref<10240x128xf32, #tpu.memory_space<vmem_shared>>) offsets(%arg8 : memref<128xi32, #tpu.memory_space<vmem>>) semaphore(%arg20 : memref<!tpu.dma_semaphore, #tpu.memory_space<semaphore_mem>>) {add = true}
      %add3A_97 = arith.constant 1 : i32
      %add3A_98 = arith.addi %mul3A_25, %add3A_97 : i32
      %mul3A_99 = arith.constant 128 : i32
      %mul3A_100 = arith.muli %add3A_98, %mul3A_99 : i32
      %add3A_101 = arith.addi %mul3A_6, %mul3A_100 : i32
      %dma_wait3A_102 = arith.constant 1 : i32
      %dma_wait3A_103 = tpu.memref_slice %arg2[%dma_wait3A_102, %add3A_101] : memref<2x320000xi32, #tpu.memory_space<hbm>> -> memref<1x128xi32, #tpu.memory_space<hbm>>
      %dma_wait3A_104 = tpu.memref_squeeze %dma_wait3A_103 : memref<1x128xi32, #tpu.memory_space<hbm>> -> memref<128xi32, #tpu.memory_space<hbm>>
      %dma_wait3A_105 = tpu.memref_slice %arg2[%dma_wait3A_102, %add3A_101] : memref<2x320000xi32, #tpu.memory_space<hbm>> -> memref<1x128xi32, #tpu.memory_space<hbm>>
      %dma_wait3A_106 = tpu.memref_squeeze %dma_wait3A_105 : memref<1x128xi32, #tpu.memory_space<hbm>> -> memref<128xi32, #tpu.memory_space<hbm>>
      tpu.wait_dma2 semaphore(%arg15 : memref<!tpu.dma_semaphore, #tpu.memory_space<semaphore_mem>>) src(%dma_wait3A_106 : memref<128xi32, #tpu.memory_space<hbm>>) dst(%arg9 : memref<128xi32, #tpu.memory_space<vmem>>)
      %dma_start3A_107 = arith.constant 0 : i32
      %dma_start3A_108 = arith.constant 0 : i32
      %dma_start3A_109 = tpu.memref_slice %arg7[%dma_start3A_107, %dma_start3A_108] : memref<10240x128xf32, #tpu.memory_space<vmem_shared>> -> memref<10240x128xf32, #tpu.memory_space<vmem_shared>>
      tpu.enqueue_indirect_dma source(%arg6 : memref<128x128xf32, #tpu.memory_space<vmem>>) target(%dma_start3A_109 : memref<10240x128xf32, #tpu.memory_space<vmem_shared>>) offsets(%arg9 : memref<128xi32, #tpu.memory_space<vmem>>) semaphore(%arg21 : memref<!tpu.dma_semaphore, #tpu.memory_space<semaphore_mem>>) {add = true}
      %add3A_110 = arith.constant 2 : i32
      %add3A_111 = arith.addi %mul3A_25, %add3A_110 : i32
      %mul3A_112 = arith.constant 128 : i32
      %mul3A_113 = arith.muli %add3A_111, %mul3A_112 : i32
      %add3A_114 = arith.addi %mul3A_6, %mul3A_113 : i32
      %dma_wait3A_115 = arith.constant 1 : i32
      %dma_wait3A_116 = tpu.memref_slice %arg2[%dma_wait3A_115, %add3A_114] : memref<2x320000xi32, #tpu.memory_space<hbm>> -> memref<1x128xi32, #tpu.memory_space<hbm>>
      %dma_wait3A_117 = tpu.memref_squeeze %dma_wait3A_116 : memref<1x128xi32, #tpu.memory_space<hbm>> -> memref<128xi32, #tpu.memory_space<hbm>>
      %dma_wait3A_118 = tpu.memref_slice %arg2[%dma_wait3A_115, %add3A_114] : memref<2x320000xi32, #tpu.memory_space<hbm>> -> memref<1x128xi32, #tpu.memory_space<hbm>>
      %dma_wait3A_119 = tpu.memref_squeeze %dma_wait3A_118 : memref<1x128xi32, #tpu.memory_space<hbm>> -> memref<128xi32, #tpu.memory_space<hbm>>
      tpu.wait_dma2 semaphore(%arg16 : memref<!tpu.dma_semaphore, #tpu.memory_space<semaphore_mem>>) src(%dma_wait3A_119 : memref<128xi32, #tpu.memory_space<hbm>>) dst(%arg10 : memref<128xi32, #tpu.memory_space<vmem>>)
      %dma_start3A_120 = arith.constant 0 : i32
      %dma_start3A_121 = arith.constant 0 : i32
      %dma_start3A_122 = tpu.memref_slice %arg7[%dma_start3A_120, %dma_start3A_121] : memref<10240x128xf32, #tpu.memory_space<vmem_shared>> -> memref<10240x128xf32, #tpu.memory_space<vmem_shared>>
      tpu.enqueue_indirect_dma source(%arg6 : memref<128x128xf32, #tpu.memory_space<vmem>>) target(%dma_start3A_122 : memref<10240x128xf32, #tpu.memory_space<vmem_shared>>) offsets(%arg10 : memref<128xi32, #tpu.memory_space<vmem>>) semaphore(%arg22 : memref<!tpu.dma_semaphore, #tpu.memory_space<semaphore_mem>>) {add = true}
      %add3A_123 = arith.constant 3 : i32
      %add3A_124 = arith.addi %mul3A_25, %add3A_123 : i32
      %mul3A_125 = arith.constant 128 : i32
      %mul3A_126 = arith.muli %add3A_124, %mul3A_125 : i32
      %add3A_127 = arith.addi %mul3A_6, %mul3A_126 : i32
      %dma_wait3A_128 = arith.constant 1 : i32
      %dma_wait3A_129 = tpu.memref_slice %arg2[%dma_wait3A_128, %add3A_127] : memref<2x320000xi32, #tpu.memory_space<hbm>> -> memref<1x128xi32, #tpu.memory_space<hbm>>
      %dma_wait3A_130 = tpu.memref_squeeze %dma_wait3A_129 : memref<1x128xi32, #tpu.memory_space<hbm>> -> memref<128xi32, #tpu.memory_space<hbm>>
      %dma_wait3A_131 = tpu.memref_slice %arg2[%dma_wait3A_128, %add3A_127] : memref<2x320000xi32, #tpu.memory_space<hbm>> -> memref<1x128xi32, #tpu.memory_space<hbm>>
      %dma_wait3A_132 = tpu.memref_squeeze %dma_wait3A_131 : memref<1x128xi32, #tpu.memory_space<hbm>> -> memref<128xi32, #tpu.memory_space<hbm>>
      tpu.wait_dma2 semaphore(%arg17 : memref<!tpu.dma_semaphore, #tpu.memory_space<semaphore_mem>>) src(%dma_wait3A_132 : memref<128xi32, #tpu.memory_space<hbm>>) dst(%arg11 : memref<128xi32, #tpu.memory_space<vmem>>)
      %dma_start3A_133 = arith.constant 0 : i32
      %dma_start3A_134 = arith.constant 0 : i32
      %dma_start3A_135 = tpu.memref_slice %arg7[%dma_start3A_133, %dma_start3A_134] : memref<10240x128xf32, #tpu.memory_space<vmem_shared>> -> memref<10240x128xf32, #tpu.memory_space<vmem_shared>>
      tpu.enqueue_indirect_dma source(%arg6 : memref<128x128xf32, #tpu.memory_space<vmem>>) target(%dma_start3A_135 : memref<10240x128xf32, #tpu.memory_space<vmem_shared>>) offsets(%arg11 : memref<128xi32, #tpu.memory_space<vmem>>) semaphore(%arg23 : memref<!tpu.dma_semaphore, #tpu.memory_space<semaphore_mem>>) {add = true}
      %add3A_136 = arith.constant 4 : i32
      %add3A_137 = arith.addi %mul3A_25, %add3A_136 : i32
      %mul3A_138 = arith.constant 128 : i32
      %mul3A_139 = arith.muli %add3A_137, %mul3A_138 : i32
      %add3A_140 = arith.addi %mul3A_6, %mul3A_139 : i32
      %dma_wait3A_141 = arith.constant 1 : i32
      %dma_wait3A_142 = tpu.memref_slice %arg2[%dma_wait3A_141, %add3A_140] : memref<2x320000xi32, #tpu.memory_space<hbm>> -> memref<1x128xi32, #tpu.memory_space<hbm>>
      %dma_wait3A_143 = tpu.memref_squeeze %dma_wait3A_142 : memref<1x128xi32, #tpu.memory_space<hbm>> -> memref<128xi32, #tpu.memory_space<hbm>>
      %dma_wait3A_144 = tpu.memref_slice %arg2[%dma_wait3A_141, %add3A_140] : memref<2x320000xi32, #tpu.memory_space<hbm>> -> memref<1x128xi32, #tpu.memory_space<hbm>>
      %dma_wait3A_145 = tpu.memref_squeeze %dma_wait3A_144 : memref<1x128xi32, #tpu.memory_space<hbm>> -> memref<128xi32, #tpu.memory_space<hbm>>
      tpu.wait_dma2 semaphore(%arg18 : memref<!tpu.dma_semaphore, #tpu.memory_space<semaphore_mem>>) src(%dma_wait3A_145 : memref<128xi32, #tpu.memory_space<hbm>>) dst(%arg12 : memref<128xi32, #tpu.memory_space<vmem>>)
      %dma_start3A_146 = arith.constant 0 : i32
      %dma_start3A_147 = arith.constant 0 : i32
      %dma_start3A_148 = tpu.memref_slice %arg7[%dma_start3A_146, %dma_start3A_147] : memref<10240x128xf32, #tpu.memory_space<vmem_shared>> -> memref<10240x128xf32, #tpu.memory_space<vmem_shared>>
      tpu.enqueue_indirect_dma source(%arg6 : memref<128x128xf32, #tpu.memory_space<vmem>>) target(%dma_start3A_148 : memref<10240x128xf32, #tpu.memory_space<vmem_shared>>) offsets(%arg12 : memref<128xi32, #tpu.memory_space<vmem>>) semaphore(%arg24 : memref<!tpu.dma_semaphore, #tpu.memory_space<semaphore_mem>>) {add = true}
      %add3A_149 = arith.constant 5 : i32
      %add3A_150 = arith.addi %mul3A_25, %add3A_149 : i32
      %mul3A_151 = arith.constant 128 : i32
      %mul3A_152 = arith.muli %add3A_150, %mul3A_151 : i32
      %add3A_153 = arith.addi %mul3A_6, %mul3A_152 : i32
      %dma_wait3A_154 = arith.constant 1 : i32
      %dma_wait3A_155 = tpu.memref_slice %arg2[%dma_wait3A_154, %add3A_153] : memref<2x320000xi32, #tpu.memory_space<hbm>> -> memref<1x128xi32, #tpu.memory_space<hbm>>
      %dma_wait3A_156 = tpu.memref_squeeze %dma_wait3A_155 : memref<1x128xi32, #tpu.memory_space<hbm>> -> memref<128xi32, #tpu.memory_space<hbm>>
      %dma_wait3A_157 = tpu.memref_slice %arg2[%dma_wait3A_154, %add3A_153] : memref<2x320000xi32, #tpu.memory_space<hbm>> -> memref<1x128xi32, #tpu.memory_space<hbm>>
      %dma_wait3A_158 = tpu.memref_squeeze %dma_wait3A_157 : memref<1x128xi32, #tpu.memory_space<hbm>> -> memref<128xi32, #tpu.memory_space<hbm>>
      tpu.wait_dma2 semaphore(%arg19 : memref<!tpu.dma_semaphore, #tpu.memory_space<semaphore_mem>>) src(%dma_wait3A_158 : memref<128xi32, #tpu.memory_space<hbm>>) dst(%arg13 : memref<128xi32, #tpu.memory_space<vmem>>)
      %dma_start3A_159 = arith.constant 0 : i32
      %dma_start3A_160 = arith.constant 0 : i32
      %dma_start3A_161 = tpu.memref_slice %arg7[%dma_start3A_159, %dma_start3A_160] : memref<10240x128xf32, #tpu.memory_space<vmem_shared>> -> memref<10240x128xf32, #tpu.memory_space<vmem_shared>>
      tpu.enqueue_indirect_dma source(%arg6 : memref<128x128xf32, #tpu.memory_space<vmem>>) target(%dma_start3A_161 : memref<10240x128xf32, #tpu.memory_space<vmem_shared>>) offsets(%arg13 : memref<128xi32, #tpu.memory_space<vmem>>) semaphore(%arg25 : memref<!tpu.dma_semaphore, #tpu.memory_space<semaphore_mem>>) {add = true}
      %dma_wait3A_162 = arith.constant 0 : i32
      %dma_wait3A_163 = arith.constant 0 : i32
      %dma_wait3A_164 = tpu.memref_slice %arg7[%dma_wait3A_162, %dma_wait3A_163] : memref<10240x128xf32, #tpu.memory_space<vmem_shared>> -> memref<10240x128xf32, #tpu.memory_space<vmem_shared>>
      tpu.wait_indirect_dma semaphore(%arg20 : memref<!tpu.dma_semaphore, #tpu.memory_space<semaphore_mem>>) src(%arg6 : memref<128x128xf32, #tpu.memory_space<vmem>>) dst(%dma_wait3A_164 : memref<10240x128xf32, #tpu.memory_space<vmem_shared>>)
      %dma_wait3A_165 = arith.constant 0 : i32
      %dma_wait3A_166 = arith.constant 0 : i32
      %dma_wait3A_167 = tpu.memref_slice %arg7[%dma_wait3A_165, %dma_wait3A_166] : memref<10240x128xf32, #tpu.memory_space<vmem_shared>> -> memref<10240x128xf32, #tpu.memory_space<vmem_shared>>
      tpu.wait_indirect_dma semaphore(%arg21 : memref<!tpu.dma_semaphore, #tpu.memory_space<semaphore_mem>>) src(%arg6 : memref<128x128xf32, #tpu.memory_space<vmem>>) dst(%dma_wait3A_167 : memref<10240x128xf32, #tpu.memory_space<vmem_shared>>)
      %dma_wait3A_168 = arith.constant 0 : i32
      %dma_wait3A_169 = arith.constant 0 : i32
      %dma_wait3A_170 = tpu.memref_slice %arg7[%dma_wait3A_168, %dma_wait3A_169] : memref<10240x128xf32, #tpu.memory_space<vmem_shared>> -> memref<10240x128xf32, #tpu.memory_space<vmem_shared>>
      tpu.wait_indirect_dma semaphore(%arg22 : memref<!tpu.dma_semaphore, #tpu.memory_space<semaphore_mem>>) src(%arg6 : memref<128x128xf32, #tpu.memory_space<vmem>>) dst(%dma_wait3A_170 : memref<10240x128xf32, #tpu.memory_space<vmem_shared>>)
      %dma_wait3A_171 = arith.constant 0 : i32
      %dma_wait3A_172 = arith.constant 0 : i32
      %dma_wait3A_173 = tpu.memref_slice %arg7[%dma_wait3A_171, %dma_wait3A_172] : memref<10240x128xf32, #tpu.memory_space<vmem_shared>> -> memref<10240x128xf32, #tpu.memory_space<vmem_shared>>
      tpu.wait_indirect_dma semaphore(%arg23 : memref<!tpu.dma_semaphore, #tpu.memory_space<semaphore_mem>>) src(%arg6 : memref<128x128xf32, #tpu.memory_space<vmem>>) dst(%dma_wait3A_173 : memref<10240x128xf32, #tpu.memory_space<vmem_shared>>)
      %dma_wait3A_174 = arith.constant 0 : i32
      %dma_wait3A_175 = arith.constant 0 : i32
      %dma_wait3A_176 = tpu.memref_slice %arg7[%dma_wait3A_174, %dma_wait3A_175] : memref<10240x128xf32, #tpu.memory_space<vmem_shared>> -> memref<10240x128xf32, #tpu.memory_space<vmem_shared>>
      tpu.wait_indirect_dma semaphore(%arg24 : memref<!tpu.dma_semaphore, #tpu.memory_space<semaphore_mem>>) src(%arg6 : memref<128x128xf32, #tpu.memory_space<vmem>>) dst(%dma_wait3A_176 : memref<10240x128xf32, #tpu.memory_space<vmem_shared>>)
      %dma_wait3A_177 = arith.constant 0 : i32
      %dma_wait3A_178 = arith.constant 0 : i32
      %dma_wait3A_179 = tpu.memref_slice %arg7[%dma_wait3A_177, %dma_wait3A_178] : memref<10240x128xf32, #tpu.memory_space<vmem_shared>> -> memref<10240x128xf32, #tpu.memory_space<vmem_shared>>
      tpu.wait_indirect_dma semaphore(%arg25 : memref<!tpu.dma_semaphore, #tpu.memory_space<semaphore_mem>>) src(%arg6 : memref<128x128xf32, #tpu.memory_space<vmem>>) dst(%dma_wait3A_179 : memref<10240x128xf32, #tpu.memory_space<vmem_shared>>)
    }
    %scan3A_15 = arith.constant 13 : i32
    %lt3A = arith.constant 4 : i32
    %lt3A_16 = arith.cmpi slt, %add3A, %lt3A : i32
    %convert_element_type3A = arith.extui %lt3A_16 : i1 to i32
    %cond3A = arith.constant 0 : i32
    %cond3A_17 = arith.cmpi ne, %convert_element_type3A, %cond3A : i32
    scf.if %cond3A_17 {
      %add3A_23 = arith.constant 9984 : i32
      %add3A_24 = arith.addi %mul3A_6, %add3A_23 : i32
      %run_scoped3A = arith.constant 1 : i32
      "tpu.region"() ({
        %run_scoped3A_25 = tpu.sem_alloc : memref<!tpu.dma_semaphore, #tpu.memory_space<semaphore_mem>>
        %dma_start3A = tpu.memref_slice %arg2[%run_scoped3A, %add3A_24] : memref<2x320000xi32, #tpu.memory_space<hbm>> -> memref<1x128xi32, #tpu.memory_space<hbm>>
        %dma_start3A_26 = tpu.memref_squeeze %dma_start3A : memref<1x128xi32, #tpu.memory_space<hbm>> -> memref<128xi32, #tpu.memory_space<hbm>>
        %dma_start3A_27 = tpu.memref_slice %arg2[%run_scoped3A, %add3A_24] : memref<2x320000xi32, #tpu.memory_space<hbm>> -> memref<1x128xi32, #tpu.memory_space<hbm>>
        %dma_start3A_28 = tpu.memref_squeeze %dma_start3A_27 : memref<1x128xi32, #tpu.memory_space<hbm>> -> memref<128xi32, #tpu.memory_space<hbm>>
        tpu.enqueue_dma source(%dma_start3A_28 : memref<128xi32, #tpu.memory_space<hbm>>) target(%arg8 : memref<128xi32, #tpu.memory_space<vmem>>) target_semaphore(%run_scoped3A_25 : memref<!tpu.dma_semaphore, #tpu.memory_space<semaphore_mem>>)
        %dma_wait3A = tpu.memref_slice %arg2[%run_scoped3A, %add3A_24] : memref<2x320000xi32, #tpu.memory_space<hbm>> -> memref<1x128xi32, #tpu.memory_space<hbm>>
        %dma_wait3A_29 = tpu.memref_squeeze %dma_wait3A : memref<1x128xi32, #tpu.memory_space<hbm>> -> memref<128xi32, #tpu.memory_space<hbm>>
        %dma_wait3A_30 = tpu.memref_slice %arg2[%run_scoped3A, %add3A_24] : memref<2x320000xi32, #tpu.memory_space<hbm>> -> memref<1x128xi32, #tpu.memory_space<hbm>>
        %dma_wait3A_31 = tpu.memref_squeeze %dma_wait3A_30 : memref<1x128xi32, #tpu.memory_space<hbm>> -> memref<128xi32, #tpu.memory_space<hbm>>
        tpu.wait_dma2 semaphore(%run_scoped3A_25 : memref<!tpu.dma_semaphore, #tpu.memory_space<semaphore_mem>>) src(%dma_wait3A_31 : memref<128xi32, #tpu.memory_space<hbm>>) dst(%arg8 : memref<128xi32, #tpu.memory_space<vmem>>)
        tpu.yield
      }) : () -> ()
      "tpu.region"() ({
        %run_scoped3A_25 = tpu.sem_alloc : memref<!tpu.dma_semaphore, #tpu.memory_space<semaphore_mem>>
        %dma_start3A = arith.constant 0 : i32
        %dma_start3A_26 = arith.constant 0 : i32
        %dma_start3A_27 = tpu.memref_slice %arg7[%dma_start3A, %dma_start3A_26] : memref<10240x128xf32, #tpu.memory_space<vmem_shared>> -> memref<10240x128xf32, #tpu.memory_space<vmem_shared>>
        tpu.enqueue_indirect_dma source(%arg6 : memref<128x128xf32, #tpu.memory_space<vmem>>) target(%dma_start3A_27 : memref<10240x128xf32, #tpu.memory_space<vmem_shared>>) offsets(%arg8 : memref<128xi32, #tpu.memory_space<vmem>>) semaphore(%run_scoped3A_25 : memref<!tpu.dma_semaphore, #tpu.memory_space<semaphore_mem>>) {add = true}
        %dma_wait3A = arith.constant 0 : i32
        %dma_wait3A_28 = arith.constant 0 : i32
        %dma_wait3A_29 = tpu.memref_slice %arg7[%dma_wait3A, %dma_wait3A_28] : memref<10240x128xf32, #tpu.memory_space<vmem_shared>> -> memref<10240x128xf32, #tpu.memory_space<vmem_shared>>
        tpu.wait_indirect_dma semaphore(%run_scoped3A_25 : memref<!tpu.dma_semaphore, #tpu.memory_space<semaphore_mem>>) src(%arg6 : memref<128x128xf32, #tpu.memory_space<vmem>>) dst(%dma_wait3A_29 : memref<10240x128xf32, #tpu.memory_space<vmem_shared>>)
        tpu.yield
      }) : () -> ()
    } else {
    }
    %barrier3A_18 = arith.constant 0 : index
    tpu.barrier barrier_id(%barrier3A_18)
    %mul3A_19 = arith.constant 640 : i32
    %mul3A_20 = arith.muli %arg1, %mul3A_19 : i32
    %mul3A_21 = arith.constant 640 : i32
    %mul3A_22 = arith.muli %arg1, %mul3A_21 : i32
    "tpu.region"() ({
      %run_scoped3A = tpu.sem_alloc : memref<!tpu.dma_semaphore, #tpu.memory_space<semaphore_mem>>
      %dma_start3A = arith.constant 0 : i32
      %dma_start3A_23 = tpu.memref_slice %arg5[%arg0, %mul3A_22, %dma_start3A] : memref<2x10240x128xf32, #tpu.memory_space<hbm>> -> memref<1x640x128xf32, #tpu.memory_space<hbm>>
      %dma_start3A_24 = tpu.memref_squeeze %dma_start3A_23 : memref<1x640x128xf32, #tpu.memory_space<hbm>> -> memref<640x128xf32, #tpu.memory_space<hbm>>
      %dma_start3A_25 = arith.constant 0 : i32
      %dma_start3A_26 = tpu.memref_slice %arg7[%mul3A_20, %dma_start3A_25] : memref<10240x128xf32, #tpu.memory_space<vmem_shared>> -> memref<640x128xf32, #tpu.memory_space<vmem_shared>>
      tpu.enqueue_dma source(%dma_start3A_26 : memref<640x128xf32, #tpu.memory_space<vmem_shared>>) target(%dma_start3A_24 : memref<640x128xf32, #tpu.memory_space<hbm>>) target_semaphore(%run_scoped3A : memref<!tpu.dma_semaphore, #tpu.memory_space<semaphore_mem>>)
      %dma_wait3A = arith.constant 0 : i32
      %dma_wait3A_27 = tpu.memref_slice %arg5[%arg0, %mul3A_22, %dma_wait3A] : memref<2x10240x128xf32, #tpu.memory_space<hbm>> -> memref<1x640x128xf32, #tpu.memory_space<hbm>>
      %dma_wait3A_28 = tpu.memref_squeeze %dma_wait3A_27 : memref<1x640x128xf32, #tpu.memory_space<hbm>> -> memref<640x128xf32, #tpu.memory_space<hbm>>
      %dma_wait3A_29 = arith.constant 0 : i32
      %dma_wait3A_30 = tpu.memref_slice %arg7[%mul3A_20, %dma_wait3A_29] : memref<10240x128xf32, #tpu.memory_space<vmem_shared>> -> memref<640x128xf32, #tpu.memory_space<vmem_shared>>
      tpu.wait_dma2 semaphore(%run_scoped3A : memref<!tpu.dma_semaphore, #tpu.memory_space<semaphore_mem>>) src(%dma_wait3A_30 : memref<640x128xf32, #tpu.memory_space<vmem_shared>>) dst(%dma_wait3A_28 : memref<640x128xf32, #tpu.memory_space<hbm>>)
      tpu.yield
    }) : () -> ()
    return
  }
}

#map = affine_map<(d0, d1) -> (0, 0)>
#map1 = affine_map<(d0, d1) -> (0, 0, 0)>
module attributes {stable_mosaic.version = 14 : i64} {
  func.func @_sc_agg(%arg0: i32, %arg1: i32, %arg2: memref<2x320000xi32, #tpu.memory_space<hbm>>, %arg3: memref<10240x128xf32, #tpu.memory_space<hbm>>, %arg4: memref<2x10240x128xf32, #tpu.memory_space<hbm>>, %arg5: memref<10112xi32, #tpu.memory_space<vmem>>, %arg6: memref<128xi32, #tpu.memory_space<vmem>>, %arg7: memref<128xi32, #tpu.memory_space<vmem>>, %arg8: memref<128x128xf32, #tpu.memory_space<vmem>>, %arg9: memref<128x128xf32, #tpu.memory_space<vmem>>, %arg10: memref<10240x128xf32, #tpu.memory_space<vmem_shared>>, %arg11: memref<!tpu.dma_semaphore, #tpu.memory_space<semaphore_mem>>, %arg12: memref<!tpu.dma_semaphore, #tpu.memory_space<semaphore_mem>>, %arg13: memref<!tpu.dma_semaphore, #tpu.memory_space<semaphore_mem>>, %arg14: memref<!tpu.dma_semaphore, #tpu.memory_space<semaphore_mem>>) attributes {dimension_semantics = [#tpu.dimension_semantics<core_parallel>, #tpu.dimension_semantics<subcore_parallel>], iteration_bounds = array<i64: 2, 16>, scalar_prefetch = 0 : i64, scratch_operands = 10 : i64, tpu.core_type = #tpu.core_type<sc_vector_subcore>, window_params = [{transform_indices = #map}, {transform_indices = #map}, {transform_indices = #map1}]} {
    %mul3A = arith.constant 2 : i32
    %mul3A_0 = arith.muli %arg1, %mul3A : i32
    %add3A = arith.addi %mul3A_0, %arg0 : i32
    %mul3A_1 = arith.constant 78 : i32
    %mul3A_2 = arith.muli %add3A, %mul3A_1 : i32
    %min3A = arith.constant 4 : i32
    %min3A_3 = arith.minsi %add3A, %min3A : i32
    %add3A_4 = arith.addi %mul3A_2, %min3A_3 : i32
    %mul3A_5 = arith.constant 128 : i32
    %mul3A_6 = arith.muli %add3A_4, %mul3A_5 : i32
    %run_scoped3A = arith.constant 0 : i32
    "tpu.region"() ({
      %run_scoped3A_41 = tpu.sem_alloc : memref<!tpu.dma_semaphore, #tpu.memory_space<semaphore_mem>>
      %dma_start3A_42 = arith.constant 0 : i32
      %dma_start3A_43 = tpu.memref_slice %arg5[%dma_start3A_42] : memref<10112xi32, #tpu.memory_space<vmem>> -> memref<9984xi32, #tpu.memory_space<vmem>>
      %dma_start3A_44 = tpu.memref_slice %arg2[%run_scoped3A, %mul3A_6] : memref<2x320000xi32, #tpu.memory_space<hbm>> -> memref<1x9984xi32, #tpu.memory_space<hbm>>
      %dma_start3A_45 = tpu.memref_squeeze %dma_start3A_44 : memref<1x9984xi32, #tpu.memory_space<hbm>> -> memref<9984xi32, #tpu.memory_space<hbm>>
      %dma_start3A_46 = arith.constant 0 : i32
      %dma_start3A_47 = tpu.memref_slice %arg5[%dma_start3A_46] : memref<10112xi32, #tpu.memory_space<vmem>> -> memref<9984xi32, #tpu.memory_space<vmem>>
      %dma_start3A_48 = tpu.memref_slice %arg2[%run_scoped3A, %mul3A_6] : memref<2x320000xi32, #tpu.memory_space<hbm>> -> memref<1x9984xi32, #tpu.memory_space<hbm>>
      %dma_start3A_49 = tpu.memref_squeeze %dma_start3A_48 : memref<1x9984xi32, #tpu.memory_space<hbm>> -> memref<9984xi32, #tpu.memory_space<hbm>>
      tpu.enqueue_dma source(%dma_start3A_49 : memref<9984xi32, #tpu.memory_space<hbm>>) target(%dma_start3A_47 : memref<9984xi32, #tpu.memory_space<vmem>>) target_semaphore(%run_scoped3A_41 : memref<!tpu.dma_semaphore, #tpu.memory_space<semaphore_mem>>)
      %dma_wait3A = arith.constant 0 : i32
      %dma_wait3A_50 = tpu.memref_slice %arg5[%dma_wait3A] : memref<10112xi32, #tpu.memory_space<vmem>> -> memref<9984xi32, #tpu.memory_space<vmem>>
      %dma_wait3A_51 = tpu.memref_slice %arg2[%run_scoped3A, %mul3A_6] : memref<2x320000xi32, #tpu.memory_space<hbm>> -> memref<1x9984xi32, #tpu.memory_space<hbm>>
      %dma_wait3A_52 = tpu.memref_squeeze %dma_wait3A_51 : memref<1x9984xi32, #tpu.memory_space<hbm>> -> memref<9984xi32, #tpu.memory_space<hbm>>
      %dma_wait3A_53 = arith.constant 0 : i32
      %dma_wait3A_54 = tpu.memref_slice %arg5[%dma_wait3A_53] : memref<10112xi32, #tpu.memory_space<vmem>> -> memref<9984xi32, #tpu.memory_space<vmem>>
      %dma_wait3A_55 = tpu.memref_slice %arg2[%run_scoped3A, %mul3A_6] : memref<2x320000xi32, #tpu.memory_space<hbm>> -> memref<1x9984xi32, #tpu.memory_space<hbm>>
      %dma_wait3A_56 = tpu.memref_squeeze %dma_wait3A_55 : memref<1x9984xi32, #tpu.memory_space<hbm>> -> memref<9984xi32, #tpu.memory_space<hbm>>
      tpu.wait_dma2 semaphore(%run_scoped3A_41 : memref<!tpu.dma_semaphore, #tpu.memory_space<semaphore_mem>>) src(%dma_wait3A_56 : memref<9984xi32, #tpu.memory_space<hbm>>) dst(%dma_wait3A_54 : memref<9984xi32, #tpu.memory_space<vmem>>)
      tpu.yield
    }) : () -> ()
    %mul3A_7 = arith.constant 640 : i32
    %mul3A_8 = arith.muli %arg1, %mul3A_7 : i32
    %mul3A_9 = arith.constant 640 : i32
    %mul3A_10 = arith.muli %arg1, %mul3A_9 : i32
    "tpu.region"() ({
      %run_scoped3A_41 = tpu.sem_alloc : memref<!tpu.dma_semaphore, #tpu.memory_space<semaphore_mem>>
      %dma_start3A_42 = arith.constant 0 : i32
      %dma_start3A_43 = tpu.memref_slice %arg10[%mul3A_10, %dma_start3A_42] : memref<10240x128xf32, #tpu.memory_space<vmem_shared>> -> memref<640x128xf32, #tpu.memory_space<vmem_shared>>
      %dma_start3A_44 = arith.constant 0 : i32
      %dma_start3A_45 = tpu.memref_slice %arg3[%mul3A_8, %dma_start3A_44] : memref<10240x128xf32, #tpu.memory_space<hbm>> -> memref<640x128xf32, #tpu.memory_space<hbm>>
      tpu.enqueue_dma source(%dma_start3A_45 : memref<640x128xf32, #tpu.memory_space<hbm>>) target(%dma_start3A_43 : memref<640x128xf32, #tpu.memory_space<vmem_shared>>) target_semaphore(%run_scoped3A_41 : memref<!tpu.dma_semaphore, #tpu.memory_space<semaphore_mem>>)
      %dma_wait3A = arith.constant 0 : i32
      %dma_wait3A_46 = tpu.memref_slice %arg10[%mul3A_10, %dma_wait3A] : memref<10240x128xf32, #tpu.memory_space<vmem_shared>> -> memref<640x128xf32, #tpu.memory_space<vmem_shared>>
      %dma_wait3A_47 = arith.constant 0 : i32
      %dma_wait3A_48 = tpu.memref_slice %arg3[%mul3A_8, %dma_wait3A_47] : memref<10240x128xf32, #tpu.memory_space<hbm>> -> memref<640x128xf32, #tpu.memory_space<hbm>>
      tpu.wait_dma2 semaphore(%run_scoped3A_41 : memref<!tpu.dma_semaphore, #tpu.memory_space<semaphore_mem>>) src(%dma_wait3A_48 : memref<640x128xf32, #tpu.memory_space<hbm>>) dst(%dma_wait3A_46 : memref<640x128xf32, #tpu.memory_space<vmem_shared>>)
      tpu.yield
    }) : () -> ()
    %barrier3A = arith.constant 0 : index
    tpu.barrier barrier_id(%barrier3A)
    %add3A_11 = arith.constant 0 : i32
    %add3A_12 = arith.addi %mul3A_6, %add3A_11 : i32
    %dma_start3A = arith.constant 1 : i32
    %dma_start3A_13 = tpu.memref_slice %arg2[%dma_start3A, %add3A_12] : memref<2x320000xi32, #tpu.memory_space<hbm>> -> memref<1x128xi32, #tpu.memory_space<hbm>>
    %dma_start3A_14 = tpu.memref_squeeze %dma_start3A_13 : memref<1x128xi32, #tpu.memory_space<hbm>> -> memref<128xi32, #tpu.memory_space<hbm>>
    %dma_start3A_15 = tpu.memref_slice %arg2[%dma_start3A, %add3A_12] : memref<2x320000xi32, #tpu.memory_space<hbm>> -> memref<1x128xi32, #tpu.memory_space<hbm>>
    %dma_start3A_16 = tpu.memref_squeeze %dma_start3A_15 : memref<1x128xi32, #tpu.memory_space<hbm>> -> memref<128xi32, #tpu.memory_space<hbm>>
    tpu.enqueue_dma source(%dma_start3A_16 : memref<128xi32, #tpu.memory_space<hbm>>) target(%arg6 : memref<128xi32, #tpu.memory_space<vmem>>) target_semaphore(%arg13 : memref<!tpu.dma_semaphore, #tpu.memory_space<semaphore_mem>>)
    %add3A_17 = arith.constant 128 : i32
    %add3A_18 = arith.addi %mul3A_6, %add3A_17 : i32
    %dma_start3A_19 = arith.constant 1 : i32
    %dma_start3A_20 = tpu.memref_slice %arg2[%dma_start3A_19, %add3A_18] : memref<2x320000xi32, #tpu.memory_space<hbm>> -> memref<1x128xi32, #tpu.memory_space<hbm>>
    %dma_start3A_21 = tpu.memref_squeeze %dma_start3A_20 : memref<1x128xi32, #tpu.memory_space<hbm>> -> memref<128xi32, #tpu.memory_space<hbm>>
    %dma_start3A_22 = tpu.memref_slice %arg2[%dma_start3A_19, %add3A_18] : memref<2x320000xi32, #tpu.memory_space<hbm>> -> memref<1x128xi32, #tpu.memory_space<hbm>>
    %dma_start3A_23 = tpu.memref_squeeze %dma_start3A_22 : memref<1x128xi32, #tpu.memory_space<hbm>> -> memref<128xi32, #tpu.memory_space<hbm>>
    tpu.enqueue_dma source(%dma_start3A_23 : memref<128xi32, #tpu.memory_space<hbm>>) target(%arg7 : memref<128xi32, #tpu.memory_space<vmem>>) target_semaphore(%arg14 : memref<!tpu.dma_semaphore, #tpu.memory_space<semaphore_mem>>)
    %dma_start3A_24 = arith.constant 0 : i32
    %dma_start3A_25 = tpu.memref_slice %arg5[%dma_start3A_24] : memref<10112xi32, #tpu.memory_space<vmem>> -> memref<128xi32, #tpu.memory_space<vmem>>
    %dma_start3A_26 = arith.constant 0 : i32
    %dma_start3A_27 = arith.constant 0 : i32
    %dma_start3A_28 = tpu.memref_slice %arg3[%dma_start3A_26, %dma_start3A_27] : memref<10240x128xf32, #tpu.memory_space<hbm>> -> memref<10240x128xf32, #tpu.memory_space<hbm>>
    tpu.enqueue_indirect_dma source(%dma_start3A_28 : memref<10240x128xf32, #tpu.memory_space<hbm>>) target(%arg8 : memref<128x128xf32, #tpu.memory_space<vmem>>) offsets(%dma_start3A_25 : memref<128xi32, #tpu.memory_space<vmem>>) semaphore(%arg11 : memref<!tpu.dma_semaphore, #tpu.memory_space<semaphore_mem>>)
    %scan3A = arith.constant 0 : i32
    %scan3A_29 = arith.constant 0 : i32
    %scan3A_30 = arith.constant 39 : i32
    %scan3A_31 = arith.addi %scan3A_29, %scan3A_30 : i32
    %scan3A_32 = arith.constant 1 : i32
    scf.for %scan3A_41 = %scan3A_29 to %scan3A_31 step %scan3A_32  : i32 {
      %mul3A_42 = arith.constant 2 : i32
      %mul3A_43 = arith.muli %mul3A_42, %scan3A_41 : i32
      %add3A_44 = arith.constant 1 : i32
      %add3A_45 = arith.addi %mul3A_43, %add3A_44 : i32
      %mul3A_46 = arith.constant 128 : i32
      %mul3A_47 = arith.muli %add3A_45, %mul3A_46 : i32
      %dma_start3A_48 = tpu.memref_slice %arg5[%mul3A_47] : memref<10112xi32, #tpu.memory_space<vmem>> -> memref<128xi32, #tpu.memory_space<vmem>>
      %dma_start3A_49 = arith.constant 0 : i32
      %dma_start3A_50 = arith.constant 0 : i32
      %dma_start3A_51 = tpu.memref_slice %arg3[%dma_start3A_49, %dma_start3A_50] : memref<10240x128xf32, #tpu.memory_space<hbm>> -> memref<10240x128xf32, #tpu.memory_space<hbm>>
      tpu.enqueue_indirect_dma source(%dma_start3A_51 : memref<10240x128xf32, #tpu.memory_space<hbm>>) target(%arg9 : memref<128x128xf32, #tpu.memory_space<vmem>>) offsets(%dma_start3A_48 : memref<128xi32, #tpu.memory_space<vmem>>) semaphore(%arg12 : memref<!tpu.dma_semaphore, #tpu.memory_space<semaphore_mem>>)
      %mul3A_52 = arith.constant 128 : i32
      %mul3A_53 = arith.muli %mul3A_43, %mul3A_52 : i32
      %dma_wait3A = tpu.memref_slice %arg5[%mul3A_53] : memref<10112xi32, #tpu.memory_space<vmem>> -> memref<128xi32, #tpu.memory_space<vmem>>
      %dma_wait3A_54 = arith.constant 0 : i32
      %dma_wait3A_55 = arith.constant 0 : i32
      %dma_wait3A_56 = tpu.memref_slice %arg3[%dma_wait3A_54, %dma_wait3A_55] : memref<10240x128xf32, #tpu.memory_space<hbm>> -> memref<10240x128xf32, #tpu.memory_space<hbm>>
      tpu.wait_indirect_dma semaphore(%arg11 : memref<!tpu.dma_semaphore, #tpu.memory_space<semaphore_mem>>) src(%dma_wait3A_56 : memref<10240x128xf32, #tpu.memory_space<hbm>>) dst(%arg8 : memref<128x128xf32, #tpu.memory_space<vmem>>)
      %mul3A_57 = arith.constant 128 : i32
      %mul3A_58 = arith.muli %mul3A_43, %mul3A_57 : i32
      %add3A_59 = arith.addi %mul3A_6, %mul3A_58 : i32
      %dma_wait3A_60 = arith.constant 1 : i32
      %dma_wait3A_61 = tpu.memref_slice %arg2[%dma_wait3A_60, %add3A_59] : memref<2x320000xi32, #tpu.memory_space<hbm>> -> memref<1x128xi32, #tpu.memory_space<hbm>>
      %dma_wait3A_62 = tpu.memref_squeeze %dma_wait3A_61 : memref<1x128xi32, #tpu.memory_space<hbm>> -> memref<128xi32, #tpu.memory_space<hbm>>
      %dma_wait3A_63 = tpu.memref_slice %arg2[%dma_wait3A_60, %add3A_59] : memref<2x320000xi32, #tpu.memory_space<hbm>> -> memref<1x128xi32, #tpu.memory_space<hbm>>
      %dma_wait3A_64 = tpu.memref_squeeze %dma_wait3A_63 : memref<1x128xi32, #tpu.memory_space<hbm>> -> memref<128xi32, #tpu.memory_space<hbm>>
      tpu.wait_dma2 semaphore(%arg13 : memref<!tpu.dma_semaphore, #tpu.memory_space<semaphore_mem>>) src(%dma_wait3A_64 : memref<128xi32, #tpu.memory_space<hbm>>) dst(%arg6 : memref<128xi32, #tpu.memory_space<vmem>>)
      "tpu.region"() ({
        %run_scoped3A_89 = tpu.sem_alloc : memref<!tpu.dma_semaphore, #tpu.memory_space<semaphore_mem>>
        %dma_start3A_90 = arith.constant 0 : i32
        %dma_start3A_91 = arith.constant 0 : i32
        %dma_start3A_92 = tpu.memref_slice %arg10[%dma_start3A_90, %dma_start3A_91] : memref<10240x128xf32, #tpu.memory_space<vmem_shared>> -> memref<10240x128xf32, #tpu.memory_space<vmem_shared>>
        tpu.enqueue_indirect_dma source(%arg8 : memref<128x128xf32, #tpu.memory_space<vmem>>) target(%dma_start3A_92 : memref<10240x128xf32, #tpu.memory_space<vmem_shared>>) offsets(%arg6 : memref<128xi32, #tpu.memory_space<vmem>>) semaphore(%run_scoped3A_89 : memref<!tpu.dma_semaphore, #tpu.memory_space<semaphore_mem>>) {add = true}
        %dma_wait3A_93 = arith.constant 0 : i32
        %dma_wait3A_94 = arith.constant 0 : i32
        %dma_wait3A_95 = tpu.memref_slice %arg10[%dma_wait3A_93, %dma_wait3A_94] : memref<10240x128xf32, #tpu.memory_space<vmem_shared>> -> memref<10240x128xf32, #tpu.memory_space<vmem_shared>>
        tpu.wait_indirect_dma semaphore(%run_scoped3A_89 : memref<!tpu.dma_semaphore, #tpu.memory_space<semaphore_mem>>) src(%arg8 : memref<128x128xf32, #tpu.memory_space<vmem>>) dst(%dma_wait3A_95 : memref<10240x128xf32, #tpu.memory_space<vmem_shared>>)
        tpu.yield
      }) : () -> ()
      %lt3A_65 = arith.constant 38 : i32
      %lt3A_66 = arith.cmpi slt, %scan3A_41, %lt3A_65 : i32
      %convert_element_type3A_67 = arith.extui %lt3A_66 : i1 to i32
      %cond3A_68 = arith.constant 0 : i32
      %cond3A_69 = arith.cmpi ne, %convert_element_type3A_67, %cond3A_68 : i32
      scf.if %cond3A_69 {
        %add3A_89 = arith.constant 2 : i32
        %add3A_90 = arith.addi %mul3A_43, %add3A_89 : i32
        %mul3A_91 = arith.constant 128 : i32
        %mul3A_92 = arith.muli %add3A_90, %mul3A_91 : i32
        %add3A_93 = arith.addi %mul3A_6, %mul3A_92 : i32
        %dma_start3A_94 = arith.constant 1 : i32
        %dma_start3A_95 = tpu.memref_slice %arg2[%dma_start3A_94, %add3A_93] : memref<2x320000xi32, #tpu.memory_space<hbm>> -> memref<1x128xi32, #tpu.memory_space<hbm>>
        %dma_start3A_96 = tpu.memref_squeeze %dma_start3A_95 : memref<1x128xi32, #tpu.memory_space<hbm>> -> memref<128xi32, #tpu.memory_space<hbm>>
        %dma_start3A_97 = tpu.memref_slice %arg2[%dma_start3A_94, %add3A_93] : memref<2x320000xi32, #tpu.memory_space<hbm>> -> memref<1x128xi32, #tpu.memory_space<hbm>>
        %dma_start3A_98 = tpu.memref_squeeze %dma_start3A_97 : memref<1x128xi32, #tpu.memory_space<hbm>> -> memref<128xi32, #tpu.memory_space<hbm>>
        tpu.enqueue_dma source(%dma_start3A_98 : memref<128xi32, #tpu.memory_space<hbm>>) target(%arg6 : memref<128xi32, #tpu.memory_space<vmem>>) target_semaphore(%arg13 : memref<!tpu.dma_semaphore, #tpu.memory_space<semaphore_mem>>)
        %add3A_99 = arith.constant 2 : i32
        %add3A_100 = arith.addi %mul3A_43, %add3A_99 : i32
        %mul3A_101 = arith.constant 128 : i32
        %mul3A_102 = arith.muli %add3A_100, %mul3A_101 : i32
        %dma_start3A_103 = tpu.memref_slice %arg5[%mul3A_102] : memref<10112xi32, #tpu.memory_space<vmem>> -> memref<128xi32, #tpu.memory_space<vmem>>
        %dma_start3A_104 = arith.constant 0 : i32
        %dma_start3A_105 = arith.constant 0 : i32
        %dma_start3A_106 = tpu.memref_slice %arg3[%dma_start3A_104, %dma_start3A_105] : memref<10240x128xf32, #tpu.memory_space<hbm>> -> memref<10240x128xf32, #tpu.memory_space<hbm>>
        tpu.enqueue_indirect_dma source(%dma_start3A_106 : memref<10240x128xf32, #tpu.memory_space<hbm>>) target(%arg8 : memref<128x128xf32, #tpu.memory_space<vmem>>) offsets(%dma_start3A_103 : memref<128xi32, #tpu.memory_space<vmem>>) semaphore(%arg11 : memref<!tpu.dma_semaphore, #tpu.memory_space<semaphore_mem>>)
      } else {
      }
      %mul3A_70 = arith.constant 128 : i32
      %mul3A_71 = arith.muli %add3A_45, %mul3A_70 : i32
      %dma_wait3A_72 = tpu.memref_slice %arg5[%mul3A_71] : memref<10112xi32, #tpu.memory_space<vmem>> -> memref<128xi32, #tpu.memory_space<vmem>>
      %dma_wait3A_73 = arith.constant 0 : i32
      %dma_wait3A_74 = arith.constant 0 : i32
      %dma_wait3A_75 = tpu.memref_slice %arg3[%dma_wait3A_73, %dma_wait3A_74] : memref<10240x128xf32, #tpu.memory_space<hbm>> -> memref<10240x128xf32, #tpu.memory_space<hbm>>
      tpu.wait_indirect_dma semaphore(%arg12 : memref<!tpu.dma_semaphore, #tpu.memory_space<semaphore_mem>>) src(%dma_wait3A_75 : memref<10240x128xf32, #tpu.memory_space<hbm>>) dst(%arg9 : memref<128x128xf32, #tpu.memory_space<vmem>>)
      %mul3A_76 = arith.constant 128 : i32
      %mul3A_77 = arith.muli %add3A_45, %mul3A_76 : i32
      %add3A_78 = arith.addi %mul3A_6, %mul3A_77 : i32
      %dma_wait3A_79 = arith.constant 1 : i32
      %dma_wait3A_80 = tpu.memref_slice %arg2[%dma_wait3A_79, %add3A_78] : memref<2x320000xi32, #tpu.memory_space<hbm>> -> memref<1x128xi32, #tpu.memory_space<hbm>>
      %dma_wait3A_81 = tpu.memref_squeeze %dma_wait3A_80 : memref<1x128xi32, #tpu.memory_space<hbm>> -> memref<128xi32, #tpu.memory_space<hbm>>
      %dma_wait3A_82 = tpu.memref_slice %arg2[%dma_wait3A_79, %add3A_78] : memref<2x320000xi32, #tpu.memory_space<hbm>> -> memref<1x128xi32, #tpu.memory_space<hbm>>
      %dma_wait3A_83 = tpu.memref_squeeze %dma_wait3A_82 : memref<1x128xi32, #tpu.memory_space<hbm>> -> memref<128xi32, #tpu.memory_space<hbm>>
      tpu.wait_dma2 semaphore(%arg14 : memref<!tpu.dma_semaphore, #tpu.memory_space<semaphore_mem>>) src(%dma_wait3A_83 : memref<128xi32, #tpu.memory_space<hbm>>) dst(%arg7 : memref<128xi32, #tpu.memory_space<vmem>>)
      "tpu.region"() ({
        %run_scoped3A_89 = tpu.sem_alloc : memref<!tpu.dma_semaphore, #tpu.memory_space<semaphore_mem>>
        %dma_start3A_90 = arith.constant 0 : i32
        %dma_start3A_91 = arith.constant 0 : i32
        %dma_start3A_92 = tpu.memref_slice %arg10[%dma_start3A_90, %dma_start3A_91] : memref<10240x128xf32, #tpu.memory_space<vmem_shared>> -> memref<10240x128xf32, #tpu.memory_space<vmem_shared>>
        tpu.enqueue_indirect_dma source(%arg9 : memref<128x128xf32, #tpu.memory_space<vmem>>) target(%dma_start3A_92 : memref<10240x128xf32, #tpu.memory_space<vmem_shared>>) offsets(%arg7 : memref<128xi32, #tpu.memory_space<vmem>>) semaphore(%run_scoped3A_89 : memref<!tpu.dma_semaphore, #tpu.memory_space<semaphore_mem>>) {add = true}
        %dma_wait3A_93 = arith.constant 0 : i32
        %dma_wait3A_94 = arith.constant 0 : i32
        %dma_wait3A_95 = tpu.memref_slice %arg10[%dma_wait3A_93, %dma_wait3A_94] : memref<10240x128xf32, #tpu.memory_space<vmem_shared>> -> memref<10240x128xf32, #tpu.memory_space<vmem_shared>>
        tpu.wait_indirect_dma semaphore(%run_scoped3A_89 : memref<!tpu.dma_semaphore, #tpu.memory_space<semaphore_mem>>) src(%arg9 : memref<128x128xf32, #tpu.memory_space<vmem>>) dst(%dma_wait3A_95 : memref<10240x128xf32, #tpu.memory_space<vmem_shared>>)
        tpu.yield
      }) : () -> ()
      %lt3A_84 = arith.constant 38 : i32
      %lt3A_85 = arith.cmpi slt, %scan3A_41, %lt3A_84 : i32
      %convert_element_type3A_86 = arith.extui %lt3A_85 : i1 to i32
      %cond3A_87 = arith.constant 0 : i32
      %cond3A_88 = arith.cmpi ne, %convert_element_type3A_86, %cond3A_87 : i32
      scf.if %cond3A_88 {
        %add3A_89 = arith.constant 2 : i32
        %add3A_90 = arith.addi %add3A_45, %add3A_89 : i32
        %mul3A_91 = arith.constant 128 : i32
        %mul3A_92 = arith.muli %add3A_90, %mul3A_91 : i32
        %add3A_93 = arith.addi %mul3A_6, %mul3A_92 : i32
        %dma_start3A_94 = arith.constant 1 : i32
        %dma_start3A_95 = tpu.memref_slice %arg2[%dma_start3A_94, %add3A_93] : memref<2x320000xi32, #tpu.memory_space<hbm>> -> memref<1x128xi32, #tpu.memory_space<hbm>>
        %dma_start3A_96 = tpu.memref_squeeze %dma_start3A_95 : memref<1x128xi32, #tpu.memory_space<hbm>> -> memref<128xi32, #tpu.memory_space<hbm>>
        %dma_start3A_97 = tpu.memref_slice %arg2[%dma_start3A_94, %add3A_93] : memref<2x320000xi32, #tpu.memory_space<hbm>> -> memref<1x128xi32, #tpu.memory_space<hbm>>
        %dma_start3A_98 = tpu.memref_squeeze %dma_start3A_97 : memref<1x128xi32, #tpu.memory_space<hbm>> -> memref<128xi32, #tpu.memory_space<hbm>>
        tpu.enqueue_dma source(%dma_start3A_98 : memref<128xi32, #tpu.memory_space<hbm>>) target(%arg7 : memref<128xi32, #tpu.memory_space<vmem>>) target_semaphore(%arg14 : memref<!tpu.dma_semaphore, #tpu.memory_space<semaphore_mem>>)
      } else {
      }
    }
    %scan3A_33 = arith.constant 39 : i32
    %lt3A = arith.constant 4 : i32
    %lt3A_34 = arith.cmpi slt, %add3A, %lt3A : i32
    %convert_element_type3A = arith.extui %lt3A_34 : i1 to i32
    %cond3A = arith.constant 0 : i32
    %cond3A_35 = arith.cmpi ne, %convert_element_type3A, %cond3A : i32
    scf.if %cond3A_35 {
      %add3A_41 = arith.constant 9984 : i32
      %add3A_42 = arith.addi %mul3A_6, %add3A_41 : i32
      %run_scoped3A_43 = arith.constant 0 : i32
      "tpu.region"() ({
        %run_scoped3A_56 = tpu.sem_alloc : memref<!tpu.dma_semaphore, #tpu.memory_space<semaphore_mem>>
        %dma_start3A_57 = arith.constant 9984 : i32
        %dma_start3A_58 = tpu.memref_slice %arg5[%dma_start3A_57] : memref<10112xi32, #tpu.memory_space<vmem>> -> memref<128xi32, #tpu.memory_space<vmem>>
        %dma_start3A_59 = tpu.memref_slice %arg2[%run_scoped3A_43, %add3A_42] : memref<2x320000xi32, #tpu.memory_space<hbm>> -> memref<1x128xi32, #tpu.memory_space<hbm>>
        %dma_start3A_60 = tpu.memref_squeeze %dma_start3A_59 : memref<1x128xi32, #tpu.memory_space<hbm>> -> memref<128xi32, #tpu.memory_space<hbm>>
        %dma_start3A_61 = arith.constant 9984 : i32
        %dma_start3A_62 = tpu.memref_slice %arg5[%dma_start3A_61] : memref<10112xi32, #tpu.memory_space<vmem>> -> memref<128xi32, #tpu.memory_space<vmem>>
        %dma_start3A_63 = tpu.memref_slice %arg2[%run_scoped3A_43, %add3A_42] : memref<2x320000xi32, #tpu.memory_space<hbm>> -> memref<1x128xi32, #tpu.memory_space<hbm>>
        %dma_start3A_64 = tpu.memref_squeeze %dma_start3A_63 : memref<1x128xi32, #tpu.memory_space<hbm>> -> memref<128xi32, #tpu.memory_space<hbm>>
        tpu.enqueue_dma source(%dma_start3A_64 : memref<128xi32, #tpu.memory_space<hbm>>) target(%dma_start3A_62 : memref<128xi32, #tpu.memory_space<vmem>>) target_semaphore(%run_scoped3A_56 : memref<!tpu.dma_semaphore, #tpu.memory_space<semaphore_mem>>)
        %dma_wait3A_65 = arith.constant 9984 : i32
        %dma_wait3A_66 = tpu.memref_slice %arg5[%dma_wait3A_65] : memref<10112xi32, #tpu.memory_space<vmem>> -> memref<128xi32, #tpu.memory_space<vmem>>
        %dma_wait3A_67 = tpu.memref_slice %arg2[%run_scoped3A_43, %add3A_42] : memref<2x320000xi32, #tpu.memory_space<hbm>> -> memref<1x128xi32, #tpu.memory_space<hbm>>
        %dma_wait3A_68 = tpu.memref_squeeze %dma_wait3A_67 : memref<1x128xi32, #tpu.memory_space<hbm>> -> memref<128xi32, #tpu.memory_space<hbm>>
        %dma_wait3A_69 = arith.constant 9984 : i32
        %dma_wait3A_70 = tpu.memref_slice %arg5[%dma_wait3A_69] : memref<10112xi32, #tpu.memory_space<vmem>> -> memref<128xi32, #tpu.memory_space<vmem>>
        %dma_wait3A_71 = tpu.memref_slice %arg2[%run_scoped3A_43, %add3A_42] : memref<2x320000xi32, #tpu.memory_space<hbm>> -> memref<1x128xi32, #tpu.memory_space<hbm>>
        %dma_wait3A_72 = tpu.memref_squeeze %dma_wait3A_71 : memref<1x128xi32, #tpu.memory_space<hbm>> -> memref<128xi32, #tpu.memory_space<hbm>>
        tpu.wait_dma2 semaphore(%run_scoped3A_56 : memref<!tpu.dma_semaphore, #tpu.memory_space<semaphore_mem>>) src(%dma_wait3A_72 : memref<128xi32, #tpu.memory_space<hbm>>) dst(%dma_wait3A_70 : memref<128xi32, #tpu.memory_space<vmem>>)
        tpu.yield
      }) : () -> ()
      %add3A_44 = arith.constant 9984 : i32
      %add3A_45 = arith.addi %mul3A_6, %add3A_44 : i32
      %run_scoped3A_46 = arith.constant 1 : i32
      "tpu.region"() ({
        %run_scoped3A_56 = tpu.sem_alloc : memref<!tpu.dma_semaphore, #tpu.memory_space<semaphore_mem>>
        %dma_start3A_57 = tpu.memref_slice %arg2[%run_scoped3A_46, %add3A_45] : memref<2x320000xi32, #tpu.memory_space<hbm>> -> memref<1x128xi32, #tpu.memory_space<hbm>>
        %dma_start3A_58 = tpu.memref_squeeze %dma_start3A_57 : memref<1x128xi32, #tpu.memory_space<hbm>> -> memref<128xi32, #tpu.memory_space<hbm>>
        %dma_start3A_59 = tpu.memref_slice %arg2[%run_scoped3A_46, %add3A_45] : memref<2x320000xi32, #tpu.memory_space<hbm>> -> memref<1x128xi32, #tpu.memory_space<hbm>>
        %dma_start3A_60 = tpu.memref_squeeze %dma_start3A_59 : memref<1x128xi32, #tpu.memory_space<hbm>> -> memref<128xi32, #tpu.memory_space<hbm>>
        tpu.enqueue_dma source(%dma_start3A_60 : memref<128xi32, #tpu.memory_space<hbm>>) target(%arg6 : memref<128xi32, #tpu.memory_space<vmem>>) target_semaphore(%run_scoped3A_56 : memref<!tpu.dma_semaphore, #tpu.memory_space<semaphore_mem>>)
        %dma_wait3A_61 = tpu.memref_slice %arg2[%run_scoped3A_46, %add3A_45] : memref<2x320000xi32, #tpu.memory_space<hbm>> -> memref<1x128xi32, #tpu.memory_space<hbm>>
        %dma_wait3A_62 = tpu.memref_squeeze %dma_wait3A_61 : memref<1x128xi32, #tpu.memory_space<hbm>> -> memref<128xi32, #tpu.memory_space<hbm>>
        %dma_wait3A_63 = tpu.memref_slice %arg2[%run_scoped3A_46, %add3A_45] : memref<2x320000xi32, #tpu.memory_space<hbm>> -> memref<1x128xi32, #tpu.memory_space<hbm>>
        %dma_wait3A_64 = tpu.memref_squeeze %dma_wait3A_63 : memref<1x128xi32, #tpu.memory_space<hbm>> -> memref<128xi32, #tpu.memory_space<hbm>>
        tpu.wait_dma2 semaphore(%run_scoped3A_56 : memref<!tpu.dma_semaphore, #tpu.memory_space<semaphore_mem>>) src(%dma_wait3A_64 : memref<128xi32, #tpu.memory_space<hbm>>) dst(%arg6 : memref<128xi32, #tpu.memory_space<vmem>>)
        tpu.yield
      }) : () -> ()
      %dma_start3A_47 = arith.constant 9984 : i32
      %dma_start3A_48 = tpu.memref_slice %arg5[%dma_start3A_47] : memref<10112xi32, #tpu.memory_space<vmem>> -> memref<128xi32, #tpu.memory_space<vmem>>
      %dma_start3A_49 = arith.constant 0 : i32
      %dma_start3A_50 = arith.constant 0 : i32
      %dma_start3A_51 = tpu.memref_slice %arg3[%dma_start3A_49, %dma_start3A_50] : memref<10240x128xf32, #tpu.memory_space<hbm>> -> memref<10240x128xf32, #tpu.memory_space<hbm>>
      tpu.enqueue_indirect_dma source(%dma_start3A_51 : memref<10240x128xf32, #tpu.memory_space<hbm>>) target(%arg8 : memref<128x128xf32, #tpu.memory_space<vmem>>) offsets(%dma_start3A_48 : memref<128xi32, #tpu.memory_space<vmem>>) semaphore(%arg11 : memref<!tpu.dma_semaphore, #tpu.memory_space<semaphore_mem>>)
      %dma_wait3A = arith.constant 9984 : i32
      %dma_wait3A_52 = tpu.memref_slice %arg5[%dma_wait3A] : memref<10112xi32, #tpu.memory_space<vmem>> -> memref<128xi32, #tpu.memory_space<vmem>>
      %dma_wait3A_53 = arith.constant 0 : i32
      %dma_wait3A_54 = arith.constant 0 : i32
      %dma_wait3A_55 = tpu.memref_slice %arg3[%dma_wait3A_53, %dma_wait3A_54] : memref<10240x128xf32, #tpu.memory_space<hbm>> -> memref<10240x128xf32, #tpu.memory_space<hbm>>
      tpu.wait_indirect_dma semaphore(%arg11 : memref<!tpu.dma_semaphore, #tpu.memory_space<semaphore_mem>>) src(%dma_wait3A_55 : memref<10240x128xf32, #tpu.memory_space<hbm>>) dst(%arg8 : memref<128x128xf32, #tpu.memory_space<vmem>>)
      "tpu.region"() ({
        %run_scoped3A_56 = tpu.sem_alloc : memref<!tpu.dma_semaphore, #tpu.memory_space<semaphore_mem>>
        %dma_start3A_57 = arith.constant 0 : i32
        %dma_start3A_58 = arith.constant 0 : i32
        %dma_start3A_59 = tpu.memref_slice %arg10[%dma_start3A_57, %dma_start3A_58] : memref<10240x128xf32, #tpu.memory_space<vmem_shared>> -> memref<10240x128xf32, #tpu.memory_space<vmem_shared>>
        tpu.enqueue_indirect_dma source(%arg8 : memref<128x128xf32, #tpu.memory_space<vmem>>) target(%dma_start3A_59 : memref<10240x128xf32, #tpu.memory_space<vmem_shared>>) offsets(%arg6 : memref<128xi32, #tpu.memory_space<vmem>>) semaphore(%run_scoped3A_56 : memref<!tpu.dma_semaphore, #tpu.memory_space<semaphore_mem>>) {add = true}
        %dma_wait3A_60 = arith.constant 0 : i32
        %dma_wait3A_61 = arith.constant 0 : i32
        %dma_wait3A_62 = tpu.memref_slice %arg10[%dma_wait3A_60, %dma_wait3A_61] : memref<10240x128xf32, #tpu.memory_space<vmem_shared>> -> memref<10240x128xf32, #tpu.memory_space<vmem_shared>>
        tpu.wait_indirect_dma semaphore(%run_scoped3A_56 : memref<!tpu.dma_semaphore, #tpu.memory_space<semaphore_mem>>) src(%arg8 : memref<128x128xf32, #tpu.memory_space<vmem>>) dst(%dma_wait3A_62 : memref<10240x128xf32, #tpu.memory_space<vmem_shared>>)
        tpu.yield
      }) : () -> ()
    } else {
    }
    %barrier3A_36 = arith.constant 0 : index
    tpu.barrier barrier_id(%barrier3A_36)
    %mul3A_37 = arith.constant 640 : i32
    %mul3A_38 = arith.muli %arg1, %mul3A_37 : i32
    %mul3A_39 = arith.constant 640 : i32
    %mul3A_40 = arith.muli %arg1, %mul3A_39 : i32
    "tpu.region"() ({
      %run_scoped3A_41 = tpu.sem_alloc : memref<!tpu.dma_semaphore, #tpu.memory_space<semaphore_mem>>
      %dma_start3A_42 = arith.constant 0 : i32
      %dma_start3A_43 = tpu.memref_slice %arg4[%arg0, %mul3A_40, %dma_start3A_42] : memref<2x10240x128xf32, #tpu.memory_space<hbm>> -> memref<1x640x128xf32, #tpu.memory_space<hbm>>
      %dma_start3A_44 = tpu.memref_squeeze %dma_start3A_43 : memref<1x640x128xf32, #tpu.memory_space<hbm>> -> memref<640x128xf32, #tpu.memory_space<hbm>>
      %dma_start3A_45 = arith.constant 0 : i32
      %dma_start3A_46 = tpu.memref_slice %arg10[%mul3A_38, %dma_start3A_45] : memref<10240x128xf32, #tpu.memory_space<vmem_shared>> -> memref<640x128xf32, #tpu.memory_space<vmem_shared>>
      tpu.enqueue_dma source(%dma_start3A_46 : memref<640x128xf32, #tpu.memory_space<vmem_shared>>) target(%dma_start3A_44 : memref<640x128xf32, #tpu.memory_space<hbm>>) target_semaphore(%run_scoped3A_41 : memref<!tpu.dma_semaphore, #tpu.memory_space<semaphore_mem>>)
      %dma_wait3A = arith.constant 0 : i32
      %dma_wait3A_47 = tpu.memref_slice %arg4[%arg0, %mul3A_40, %dma_wait3A] : memref<2x10240x128xf32, #tpu.memory_space<hbm>> -> memref<1x640x128xf32, #tpu.memory_space<hbm>>
      %dma_wait3A_48 = tpu.memref_squeeze %dma_wait3A_47 : memref<1x640x128xf32, #tpu.memory_space<hbm>> -> memref<640x128xf32, #tpu.memory_space<hbm>>
      %dma_wait3A_49 = arith.constant 0 : i32
      %dma_wait3A_50 = tpu.memref_slice %arg10[%mul3A_38, %dma_wait3A_49] : memref<10240x128xf32, #tpu.memory_space<vmem_shared>> -> memref<640x128xf32, #tpu.memory_space<vmem_shared>>
      tpu.wait_dma2 semaphore(%run_scoped3A_41 : memref<!tpu.dma_semaphore, #tpu.memory_space<semaphore_mem>>) src(%dma_wait3A_50 : memref<640x128xf32, #tpu.memory_space<vmem_shared>>) dst(%dma_wait3A_48 : memref<640x128xf32, #tpu.memory_space<hbm>>)
      tpu.yield
    }) : () -> ()
    return
  }
}

module attributes {stable_mosaic.version = 14 : i64} {
  func.func @_tc_prep_body(%arg0: i32, %arg1: memref<1000x128xf32, #tpu.memory_space<vmem>>, %arg2: memref<2x1000x128xf32, #tpu.memory_space<vmem>>, %arg3: memref<1000x128xf32, #tpu.memory_space<vmem>>, %arg4: memref<1000x1xf32, #tpu.memory_space<vmem>>) attributes {dimension_semantics = [#tpu.dimension_semantics<arbitrary>], iteration_bounds = array<i64: 10>, scalar_prefetch = 0 : i64, scratch_operands = 0 : i64, tpu.core_type = #tpu.core_type<tc>, window_params = [{transform_indices = @transform_0, window_bounds = array<i64: 1000, 128>}, {transform_indices = @transform_1, window_bounds = array<i64: 2, 1000, 128>}, {transform_indices = @transform_2, window_bounds = array<i64: 1000, 128>}, {transform_indices = @transform_3, window_bounds = array<i64: 1000, 1>}]} {
    %get3A = arith.constant 0 : index
    %get3A_0 = arith.constant 0 : index
    %get3A_1 = arith.constant 0 : index
    %get3A_2 = vector.load %arg2[%get3A, %get3A_0, %get3A_1] : memref<2x1000x128xf32, #tpu.memory_space<vmem>>, vector<1x1000x128xf32>
    %get3A_3 = vector.shape_cast %get3A_2 : vector<1x1000x128xf32> to vector<1000x128xf32>
    %slice3A = vector.extract_strided_slice %get3A_3 {offsets = [0, 0], sizes = [1000, 1], strides = [1, 1]} : vector<1000x128xf32> to vector<1000x1xf32>
    %get3A_4 = arith.constant 1 : index
    %get3A_5 = arith.constant 0 : index
    %get3A_6 = arith.constant 0 : index
    %get3A_7 = vector.load %arg2[%get3A_4, %get3A_5, %get3A_6] : memref<2x1000x128xf32, #tpu.memory_space<vmem>>, vector<1x1000x128xf32>
    %get3A_8 = vector.shape_cast %get3A_7 : vector<1x1000x128xf32> to vector<1000x128xf32>
    %slice3A_9 = vector.extract_strided_slice %get3A_8 {offsets = [0, 0], sizes = [1000, 1], strides = [1, 1]} : vector<1000x128xf32> to vector<1000x1xf32>
    %add3A = arith.addf %slice3A, %slice3A_9 : vector<1000x1xf32>
    %add3A_10 = arith.constant 1.000000e+00 : f32
    %add3A_11 = vector.broadcast %add3A_10 : f32 to vector<1000x1xf32>
    %add3A_12 = arith.addf %add3A, %add3A_11 : vector<1000x1xf32>
    %rsqrt3A = math.rsqrt %add3A_12 : vector<1000x1xf32>
    %swap3A = arith.constant 0 : index
    %swap3A_13 = arith.constant 0 : index
    %swap3A_14 = vector.load %arg4[%swap3A, %swap3A_13] : memref<1000x1xf32, #tpu.memory_space<vmem>>, vector<1000x1xf32>
    tpu.vector_store %arg4[%swap3A, %swap3A_13], %rsqrt3A {strides = array<i32>} : memref<1000x1xf32, #tpu.memory_space<vmem>>, vector<1000x1xf32>,
    %get3A_15 = arith.constant 0 : index
    %get3A_16 = arith.constant 0 : index
    %get3A_17 = vector.load %arg1[%get3A_15, %get3A_16] : memref<1000x128xf32, #tpu.memory_space<vmem>>, vector<1000x128xf32>
    %mul3A = vector.broadcast %rsqrt3A : vector<1000x1xf32> to vector<1000x128xf32>
    %mul3A_18 = arith.mulf %get3A_17, %mul3A : vector<1000x128xf32>
    %swap3A_19 = arith.constant 0 : index
    %swap3A_20 = arith.constant 0 : index
    %swap3A_21 = vector.load %arg3[%swap3A_19, %swap3A_20] : memref<1000x128xf32, #tpu.memory_space<vmem>>, vector<1000x128xf32>
    tpu.vector_store %arg3[%swap3A_19, %swap3A_20], %mul3A_18 {strides = array<i32>} : memref<1000x128xf32, #tpu.memory_space<vmem>>, vector<1000x128xf32>,
    return
  }
  func.func @transform_0(%arg0: i32) -> (i32, i32) {
    %c0_i32 = arith.constant 0 : i32
    %c0_i32_0 = arith.constant 0 : i32
    return %arg0, %c0_i32 : i32, i32
  }
  func.func @transform_1(%arg0: i32) -> (i32, i32, i32) {
    %c0_i32 = arith.constant 0 : i32
    %c0_i32_0 = arith.constant 0 : i32
    %c0_i32_1 = arith.constant 0 : i32
    return %c0_i32, %arg0, %c0_i32_0 : i32, i32, i32
  }
  func.func @transform_2(%arg0: i32) -> (i32, i32) {
    %c0_i32 = arith.constant 0 : i32
    %c0_i32_0 = arith.constant 0 : i32
    return %arg0, %c0_i32 : i32, i32
  }
  func.func @transform_3(%arg0: i32) -> (i32, i32) {
    %c0_i32 = arith.constant 0 : i32
    %c0_i32_0 = arith.constant 0 : i32
    return %arg0, %c0_i32 : i32, i32
  }
}

module attributes {stable_mosaic.version = 14 : i64} {
  func.func @_tc_tail_body(%arg0: i32, %arg1: memref<2x1000x128xf32, #tpu.memory_space<vmem>>, %arg2: memref<1000x128xf32, #tpu.memory_space<vmem>>, %arg3: memref<1000x1xf32, #tpu.memory_space<vmem>>, %arg4: memref<128x512xbf16, #tpu.memory_space<vmem>>, %arg5: memref<1x512xf32, #tpu.memory_space<vmem>>, %arg6: memref<512x512xbf16, #tpu.memory_space<vmem>>, %arg7: memref<1x512xf32, #tpu.memory_space<vmem>>, %arg8: memref<512x512xbf16, #tpu.memory_space<vmem>>, %arg9: memref<1x512xf32, #tpu.memory_space<vmem>>, %arg10: memref<1000x512xf32, #tpu.memory_space<vmem>>) attributes {dimension_semantics = [#tpu.dimension_semantics<arbitrary>], iteration_bounds = array<i64: 10>, scalar_prefetch = 0 : i64, scratch_operands = 0 : i64, tpu.core_type = #tpu.core_type<tc>, window_params = [{transform_indices = @transform_0, window_bounds = array<i64: 2, 1000, 128>}, {transform_indices = @transform_1, window_bounds = array<i64: 1000, 128>}, {transform_indices = @transform_2, window_bounds = array<i64: 1000, 1>}, {pipeline_mode = #tpu.pipeline_mode<synchronous>, transform_indices = @transform_3, window_bounds = array<i64: 128, 512>}, {pipeline_mode = #tpu.pipeline_mode<synchronous>, transform_indices = @transform_4, window_bounds = array<i64: 1, 512>}, {pipeline_mode = #tpu.pipeline_mode<synchronous>, transform_indices = @transform_5, window_bounds = array<i64: 512, 512>}, {pipeline_mode = #tpu.pipeline_mode<synchronous>, transform_indices = @transform_6, window_bounds = array<i64: 1, 512>}, {pipeline_mode = #tpu.pipeline_mode<synchronous>, transform_indices = @transform_7, window_bounds = array<i64: 512, 512>}, {pipeline_mode = #tpu.pipeline_mode<synchronous>, transform_indices = @transform_8, window_bounds = array<i64: 1, 512>}, {transform_indices = @transform_9, window_bounds = array<i64: 1000, 512>}]} {
    %get3A = arith.constant 0 : index
    %get3A_0 = arith.constant 0 : index
    %get3A_1 = arith.constant 0 : index
    %get3A_2 = vector.load %arg1[%get3A, %get3A_0, %get3A_1] : memref<2x1000x128xf32, #tpu.memory_space<vmem>>, vector<1x1000x128xf32>
    %get3A_3 = vector.shape_cast %get3A_2 : vector<1x1000x128xf32> to vector<1000x128xf32>
    %get3A_4 = arith.constant 1 : index
    %get3A_5 = arith.constant 0 : index
    %get3A_6 = arith.constant 0 : index
    %get3A_7 = vector.load %arg1[%get3A_4, %get3A_5, %get3A_6] : memref<2x1000x128xf32, #tpu.memory_space<vmem>>, vector<1x1000x128xf32>
    %get3A_8 = vector.shape_cast %get3A_7 : vector<1x1000x128xf32> to vector<1000x128xf32>
    %add3A = arith.addf %get3A_3, %get3A_8 : vector<1000x128xf32>
    %get3A_9 = arith.constant 0 : index
    %get3A_10 = arith.constant 0 : index
    %get3A_11 = vector.load %arg2[%get3A_9, %get3A_10] : memref<1000x128xf32, #tpu.memory_space<vmem>>, vector<1000x128xf32>
    %sub3A = arith.subf %add3A, %get3A_11 : vector<1000x128xf32>
    %get3A_12 = arith.constant 0 : index
    %get3A_13 = arith.constant 0 : index
    %get3A_14 = vector.load %arg3[%get3A_12, %get3A_13] : memref<1000x1xf32, #tpu.memory_space<vmem>>, vector<1000x1xf32>
    %mul3A = vector.broadcast %get3A_14 : vector<1000x1xf32> to vector<1000x128xf32>
    %mul3A_15 = arith.mulf %sub3A, %mul3A : vector<1000x128xf32>
    %convert_element_type3A = arith.truncf %mul3A_15 : vector<1000x128xf32> to vector<1000x128xbf16>
    %get3A_16 = arith.constant 0 : index
    %get3A_17 = arith.constant 0 : index
    %get3A_18 = vector.load %arg4[%get3A_16, %get3A_17] : memref<128x512xbf16, #tpu.memory_space<vmem>>, vector<128x512xbf16>
    %dot_general3A = arith.constant dense<0.000000e+00> : vector<1000x512xf32>
    %dot_general3A_19 = tpu.matmul %convert_element_type3A, %get3A_18, %dot_general3A {dimension_numbers = #tpu.dot_dimension_numbers<[1], [0], [0], [1], [0, 0, 1, 1], [], []>, transpose_lhs_hint = false} : vector<1000x128xbf16>, vector<128x512xbf16>, vector<1000x512xf32> -> vector<1000x512xf32>
    %get3A_20 = arith.constant 0 : index
    %get3A_21 = arith.constant 0 : index
    %get3A_22 = vector.load %arg5[%get3A_20, %get3A_21] : memref<1x512xf32, #tpu.memory_space<vmem>>, vector<1x512xf32>
    %add3A_23 = vector.broadcast %get3A_22 : vector<1x512xf32> to vector<1000x512xf32>
    %add3A_24 = arith.addf %dot_general3A_19, %add3A_23 : vector<1000x512xf32>
    %tanh3A = math.tanh %add3A_24 : vector<1000x512xf32>
    %convert_element_type3A_25 = arith.truncf %tanh3A : vector<1000x512xf32> to vector<1000x512xbf16>
    %get3A_26 = arith.constant 0 : index
    %get3A_27 = arith.constant 0 : index
    %get3A_28 = vector.load %arg6[%get3A_26, %get3A_27] : memref<512x512xbf16, #tpu.memory_space<vmem>>, vector<512x512xbf16>
    %dot_general3A_29 = arith.constant dense<0.000000e+00> : vector<1000x512xf32>
    %dot_general3A_30 = tpu.matmul %convert_element_type3A_25, %get3A_28, %dot_general3A_29 {dimension_numbers = #tpu.dot_dimension_numbers<[1], [0], [0], [1], [0, 0, 1, 1], [], []>, transpose_lhs_hint = false} : vector<1000x512xbf16>, vector<512x512xbf16>, vector<1000x512xf32> -> vector<1000x512xf32>
    %get3A_31 = arith.constant 0 : index
    %get3A_32 = arith.constant 0 : index
    %get3A_33 = vector.load %arg7[%get3A_31, %get3A_32] : memref<1x512xf32, #tpu.memory_space<vmem>>, vector<1x512xf32>
    %add3A_34 = vector.broadcast %get3A_33 : vector<1x512xf32> to vector<1000x512xf32>
    %add3A_35 = arith.addf %dot_general3A_30, %add3A_34 : vector<1000x512xf32>
    %tanh3A_36 = math.tanh %add3A_35 : vector<1000x512xf32>
    %convert_element_type3A_37 = arith.truncf %tanh3A_36 : vector<1000x512xf32> to vector<1000x512xbf16>
    %get3A_38 = arith.constant 0 : index
    %get3A_39 = arith.constant 0 : index
    %get3A_40 = vector.load %arg8[%get3A_38, %get3A_39] : memref<512x512xbf16, #tpu.memory_space<vmem>>, vector<512x512xbf16>
    %dot_general3A_41 = arith.constant dense<0.000000e+00> : vector<1000x512xf32>
    %dot_general3A_42 = tpu.matmul %convert_element_type3A_37, %get3A_40, %dot_general3A_41 {dimension_numbers = #tpu.dot_dimension_numbers<[1], [0], [0], [1], [0, 0, 1, 1], [], []>, transpose_lhs_hint = false} : vector<1000x512xbf16>, vector<512x512xbf16>, vector<1000x512xf32> -> vector<1000x512xf32>
    %get3A_43 = arith.constant 0 : index
    %get3A_44 = arith.constant 0 : index
    %get3A_45 = vector.load %arg9[%get3A_43, %get3A_44] : memref<1x512xf32, #tpu.memory_space<vmem>>, vector<1x512xf32>
    %add3A_46 = vector.broadcast %get3A_45 : vector<1x512xf32> to vector<1000x512xf32>
    %add3A_47 = arith.addf %dot_general3A_42, %add3A_46 : vector<1000x512xf32>
    %tanh3A_48 = math.tanh %add3A_47 : vector<1000x512xf32>
    %swap3A = arith.constant 0 : index
    %swap3A_49 = arith.constant 0 : index
    %swap3A_50 = vector.load %arg10[%swap3A, %swap3A_49] : memref<1000x512xf32, #tpu.memory_space<vmem>>, vector<1000x512xf32>
    tpu.vector_store %arg10[%swap3A, %swap3A_49], %tanh3A_48 {strides = array<i32>} : memref<1000x512xf32, #tpu.memory_space<vmem>>, vector<1000x512xf32>,
    return
  }
  func.func @transform_0(%arg0: i32) -> (i32, i32, i32) {
    %c0_i32 = arith.constant 0 : i32
    %c0_i32_0 = arith.constant 0 : i32
    %c0_i32_1 = arith.constant 0 : i32
    return %c0_i32, %arg0, %c0_i32_0 : i32, i32, i32
  }
  func.func @transform_1(%arg0: i32) -> (i32, i32) {
    %c0_i32 = arith.constant 0 : i32
    %c0_i32_0 = arith.constant 0 : i32
    return %arg0, %c0_i32 : i32, i32
  }
  func.func @transform_2(%arg0: i32) -> (i32, i32) {
    %c0_i32 = arith.constant 0 : i32
    %c0_i32_0 = arith.constant 0 : i32
    return %arg0, %c0_i32 : i32, i32
  }
  func.func @transform_3(%arg0: i32) -> (i32, i32) {
    %c0_i32 = arith.constant 0 : i32
    %c0_i32_0 = arith.constant 0 : i32
    %c0_i32_1 = arith.constant 0 : i32
    return %c0_i32, %c0_i32_0 : i32, i32
  }
  func.func @transform_4(%arg0: i32) -> (i32, i32) {
    %c0_i32 = arith.constant 0 : i32
    %c0_i32_0 = arith.constant 0 : i32
    %c0_i32_1 = arith.constant 0 : i32
    return %c0_i32, %c0_i32_0 : i32, i32
  }
  func.func @transform_5(%arg0: i32) -> (i32, i32) {
    %c0_i32 = arith.constant 0 : i32
    %c0_i32_0 = arith.constant 0 : i32
    %c0_i32_1 = arith.constant 0 : i32
    return %c0_i32, %c0_i32_0 : i32, i32
  }
  func.func @transform_6(%arg0: i32) -> (i32, i32) {
    %c0_i32 = arith.constant 0 : i32
    %c0_i32_0 = arith.constant 0 : i32
    %c0_i32_1 = arith.constant 0 : i32
    return %c0_i32, %c0_i32_0 : i32, i32
  }
  func.func @transform_7(%arg0: i32) -> (i32, i32) {
    %c0_i32 = arith.constant 0 : i32
    %c0_i32_0 = arith.constant 0 : i32
    %c0_i32_1 = arith.constant 0 : i32
    return %c0_i32, %c0_i32_0 : i32, i32
  }
  func.func @transform_8(%arg0: i32) -> (i32, i32) {
    %c0_i32 = arith.constant 0 : i32
    %c0_i32_0 = arith.constant 0 : i32
    %c0_i32_1 = arith.constant 0 : i32
    return %c0_i32, %c0_i32_0 : i32, i32
  }
  func.func @transform_9(%arg0: i32) -> (i32, i32) {
    %c0_i32 = arith.constant 0 : i32
    %c0_i32_0 = arith.constant 0 : i32
    return %arg0, %c0_i32 : i32, i32
  }
}

</mosaic_0001>

<sc_bundles>
// kernel: kernel.6.cloned.1.call-start
scs
__scs_entry_jumppad:
0x0: {  	(pc) =	sbr.rel $0x88, $3  }
0x1: {  	(tag) =	ssettag $0x0;
	lr =	simm.s32 $0x1  }
0x2: {  	[smem:$0x3F99] =	sst lr;
	_ =	strace $0xD0000000  }
0x3: {  	_ = 	snop  }
0x4: {  	_ = 	snop  }
0x5: {  	_ = 	snop  }
0x6: {  	_ = 	snop  }
0x7: {  	_ = 	snop  }
__scs_overlays_trampoline_lowered:
0x8: {  	[smem:$0x3FA8] =	sst s0  }
0x9: {  	[smem:$0x3FA9] =	sst s1  }
0xa: {  	[smem:$0x3FAA] =	sst s2  }
0xb: {  	[smem:$0x3FAB] =	sst s3  }
0xc: {  	[smem:$0x3FAC] =	sst s4  }
0xd: {  	[smem:$0x3FAD] =	sst s5  }
0xe: {  	[smem:$0x3FAE] =	sst s6  }
0xf: {  	[smem:$0x3FAF] =	sst s7  }
0x10: {  	[smem:$0x3FB0] =	sst s8  }
0x11: {  	[smem:$0x3FB1] =	sst s9;
	s0 =	simm.s32 @!p0 $0x0  }
0x12: {  	s1 =	sld [smem:$0x3F97];
	s0 =	simm.s32 @p0 $0x1  }
0x13: {  	[smem:$0x3FB2] =	sst s0;
	s0 =	simm.s32 @!p1 $0x0  }
0x14: {  	s2 =	sld [smem:$0x3F96];
	s0 =	simm.s32 @p1 $0x1  }
0x15: {  	[smem:$0x3FB3] =	sst s0;
	s0 =	simm.s32 @!p2 $0x0  }
0x16: {  	s3 =	sld [smem:$0x3FDB];
	s0 =	simm.s32 @p2 $0x1  }
0x17: {  	s4 =	simm.s32 $0x1BF5;
	[smem:$0x3FB5] =	sst s0  }
0x18: {  	s0 =	sld [smem:$0x3F98];
	_ =	swait.ge [sflag:s4], $0x0  }
0x19: {  	s7 =	sld [smem:$0x3F99]  }
0x1a: {  	s8 =	sadd.s32 $0xFFFFE003, lr  }
0x1b: {  	s9 =	sadd.s32 $0xFFFFFEF7, lr;
	s5 =	simm.s32 $0xFFFFFFFF;
	p2 =	slt.u32 s8, $0xFFFFF086  }
0x1c: {  	p1 =	slt.u32 s9, $0xF7A;
	s5 =	simm.s32 @!p2 $0x0  }
0x1d: {  	s5 =	simm.s32 @p1 $0x1;
	p0 =	seq.s32 s7, s2  }
0x1e: {  	s7 =	smul.u32 @!p0 $0xF7A, s2;
	p2 =	seq.s32 @!p0 s5, $0x0  }
0x1f: {  	s9 =	smul.u32 $0xF7A, s1;
	s8 =	simm.s32 @!p0 $0x1BF5;
	p2 =	por !p2, p0  }
0x20: {  	[sflag:s8] =	ssyncset.s32 @!p0 $0xFFFFF086;
	s6 =	sadd.s32 @!p0 s3, s7;
	s7 =	simm.s32 @!p0 $0x108  }
0x21: {  	s3 =	sadd.s32 s3, s9;
	s6 =	sadd.s32 @!p0 $0x88, s6;
	s7 =	simm.s32 @p2 $0x1082  }
0x22: {  	[simem:s7], [sflag:s8] =	dma.local @!p0 [hbm:s6], $0xF7A  }
0x23: {  	s9 =	sor.u32 $0xD0000000, s2;
	s6 =	simm.s32 $0x108;
	_ =	swait.ge @!p0 [sflag:s8], $0x0  }
0x24: {  	s3 =	sadd.s32 $0x88, s3;
	s6 =	simm.s32 @!p1 $0x1082;
	[sflag:s4] =	ssyncset.s32 $0xFFFFF086  }
0x25: {  	[simem:s6], [sflag:s4] =	dma.local [hbm:s3], $0xF7A  }
0x26: {  	[smem:$0x3F99] =	sst s1;
	(tag) =	ssettag s2;
	_ =	strace s9  }
0x27: {  	s1 =	sld [smem:$0x3FA9]  }
0x28: {  	s2 =	sld [smem:$0x3FAA]  }
0x29: {  	s4 =	sld [smem:$0x3FAC]  }
0x2a: {  	p0 =	seq.s32 s5, $0x0;
	s5 =	sld [smem:$0x3FAD]  }
0x2b: {  	s6 =	sld [smem:$0x3FAE]  }
0x2c: {  	s7 =	sld [smem:$0x3FAF]  }
0x2d: {  	s3 =	simm.s32 $0x108;
	s8 =	sld [smem:$0x3FB0]  }
0x2e: {  	s3 =	simm.s32 @!p0 $0x1082;
	s9 =	sld [smem:$0x3FB1]  }
0x2f: {  	lr =	sadd.s32 s0, s3;
	s0 =	sld [smem:$0x3FA8]  }
0x30: {  	s3 =	sld [smem:$0x3FAB]  }
0x31: {  	[smem:$0x3FB4] =	sst s10  }
0x32: {  	s10 =	sld [smem:$0x3FB2];
	_ =	sdelay $0x3  }
0x33: {  	p0 =	seq.s32 s10, $0x1;
	s10 =	sld [smem:$0x3FB4];
	_ =	sdelay $0x3  }
0x34: {  	[smem:$0x3FB4] =	sst s10  }
0x35: {  	s10 =	sld [smem:$0x3FB3];
	_ =	sdelay $0x3  }
0x36: {  	p1 =	seq.s32 s10, $0x1;
	s10 =	sld [smem:$0x3FB4];
	_ =	sdelay $0x3  }
0x37: {  	[smem:$0x3FB4] =	sst s10  }
0x38: {  	s10 =	sld [smem:$0x3FB5]  }
0x39: {  	_ = 	snop;
	(pc) =	sbr.ind lr, $3  }
0x3a: {  	_ = 	snop  }
0x3b: {  	_ = 	snop  }
0x3c: {  	p2 =	seq.s32 s10, $0x1;
	s10 =	sld [smem:$0x3FB4]  }
0x3d: {  	_ =	shalt  }
0x3e: {  	_ =	shalt  }
0x3f: {  	_ =	shalt  }
0x40: {  	_ =	shalt  }
0x41: {  	_ =	shalt  }
0x42: {  	_ =	shalt  }
0x43: {  	_ =	shalt  }
0x44: {  	_ =	shalt  }
0x45: {  	_ =	shalt  }
0x46: {  	_ =	shalt  }
0x47: {  	_ =	shalt  }
0x48: {  	_ =	shalt  }
0x49: {  	_ =	shalt  }
0x4a: {  	_ =	shalt  }
0x4b: {  	_ =	shalt  }
0x4c: {  	_ =	shalt  }
0x4d: {  	_ =	shalt  }
0x4e: {  	_ =	shalt  }
0x4f: {  	_ =	shalt  }
0x50: {  	_ =	shalt  }
0x51: {  	_ =	shalt  }
0x52: {  	_ =	shalt  }
0x53: {  	_ =	shalt  }
0x54: {  	_ =	shalt  }
0x55: {  	_ =	shalt  }
0x56: {  	_ =	shalt  }
0x57: {  	_ =	shalt  }
0x58: {  	_ =	shalt  }
0x59: {  	_ =	shalt  }
0x5a: {  	_ =	shalt  }
0x5b: {  	_ =	shalt  }
0x5c: {  	_ =	shalt  }
0x5d: {  	_ =	shalt  }
0x5e: {  	_ =	shalt  }
0x5f: {  	_ =	shalt  }
0x60: {  	_ =	shalt  }
0x61: {  	_ =	shalt  }
0x62: {  	_ =	shalt  }
0x63: {  	_ =	shalt  }
0x64: {  	_ =	shalt  }
0x65: {  	_ =	shalt  }
0x66: {  	_ =	shalt  }
0x67: {  	_ =	shalt  }
0x68: {  	_ =	shalt  }
0x69: {  	_ =	shalt  }
0x6a: {  	_ =	shalt  }
0x6b: {  	_ =	shalt  }
0x6c: {  	_ =	shalt  }
0x6d: {  	_ =	shalt  }
0x6e: {  	_ =	shalt  }
0x6f: {  	_ =	shalt  }
0x70: {  	_ =	shalt  }
0x71: {  	_ =	shalt  }
0x72: {  	_ =	shalt  }
0x73: {  	_ =	shalt  }
0x74: {  	_ =	shalt  }
0x75: {  	_ =	shalt  }
0x76: {  	_ =	shalt  }
0x77: {  	_ =	shalt  }
0x78: {  	_ =	shalt  }
0x79: {  	_ =	shalt  }
0x7a: {  	_ =	shalt  }
0x7b: {  	_ =	shalt  }
0x7c: {  	_ =	shalt  }
0x7d: {  	_ =	shalt  }
0x7e: {  	_ =	shalt  }
0x7f: {  	_ =	shalt  }
0x80: {  	_ =	shalt  }
0x81: {  	_ =	shalt  }
0x82: {  	_ =	shalt  }
0x83: {  	_ =	shalt  }
0x84: {  	_ =	shalt  }
0x85: {  	_ =	shalt  }
0x86: {  	_ =	shalt  }
0x87: {  	_ =	shalt  }
.Lfunc_end0:
.L_simem_size_0:
called_computation_lowered:
.L_overlay_start_0:
0x88: {  	s2 =	sld [smem:$0x3FD9]  }
0x89: {  	s3 =	sld [smem:$0x3FFE];
	_ =	sdelay $0x1  }
0x8a: {  	s1 =	srdreg.scid  }
0x8b: {  	s0 =	sand.u32 $0x1, s1  }
0x8c: {  	s17 =	sshll.u32 s0, $0xA;
	s2 =	sadd.s32 s3, s2  }
0x8d: {  	s2 =	sadd.s32 s2, s17  }
0x8e: {  	[smem:$0x3FC0] =	sst s2  }
0x8f: {  	_ = 	snop  }
0x90: {  	s2 =	sld [smem:$0x3FC8]  }
0x91: {  	s18 =	sld [smem:$0x3FD0];
	(tm) =	ssettm $0x1  }
0x92: {  	s4 =	sld [smem:$0x3FFB];
	_ =	sdelay $0x3  }
0x93: {  	_ =	strace s4  }
0x94: {  	s4 =	sld [smem:$0x3FFC];
	_ =	sdelay $0x3  }
0x95: {  	_ =	strace s4  }
0x96: {  	s4 =	sld [smem:$0x3FFD];
	_ =	sdelay $0x3  }
0x97: {  	_ =	strace s4  }
0x98: {  	_ =	strace $0x8FFFFFFF  }
0x99: {  	s19 =	sld [smem:$0x3FDB];
	_ =	sdelay $0x1  }
0x9a: {  	s5 =	simm.s32 $_scs_section_size  }
0x9b: {  	s6 =	simm.s32 $_size__tile_overlayer_lowered;
	s7 =	simm.s32 $_tile_overlayer_lowered  }
0x9c: {  	s22 =	simm.s32 $0x1BFF;
	s21 =	sshll.u32 s7, $0x1;
	s4 =	sadd.s32 s5, s19  }
0x9d: {  	s8 =	simm.s32 $0x0;
	s20 =	sshll.u32 s6, $0x1;
	s6 =	sadd.s32 s21, s4  }
0x9e: {  	[timem:s8], [sflag:s22] =	dma.local [hbm:s6], s20  }
0x9f: {  	_ =	swait.ge [sflag:s22], s20  }
0xa0: {  	s5 =	ssub.s32 $0x0, s20;
	[sflag:s22] =	ssyncset.done $0x0  }
0xa1: {  	[sflag:s22] =	ssyncadd.s32 s5;
	_ =	sdelay $0x1  }
0xa2: {  	s23 =	simm.s32 $0x1B8B  }
0xa3: {  	_ =	swait.ge [sflag:s23], $0x1  }
0xa4: {  	[sflag:s23] =	ssyncset.done $0x0  }
0xa5: {  	s25 =	simm.s32 $0x1B8E;
	s24 =	sld [smem:$0x3FFE];
	[sflag:s23] =	ssyncadd.s32 $0xFFFFFFFF  }
0xa6: {  	s26 =	simm.s32 $execute0_lowered;
	[smem:$0x3FD2] =	sst s25  }
0xa7: {  	s6 =	sshll.u32 s26, $0x1;
	_ =	strace $0x80000046;
	[dreg:$0x1] =	wrdreg $0xFFFFFFFF  }
0xa8: {  	s28 =	simm.s32 $_size_execute0_lowered;
	s4 =	sadd.s32 s4, s6;
	[dreg:$0x0] =	wrdreg $0x0  }
0xa9: {  	s6 =	sshll.u32 s28, $0x1;
	[dreg:$0x2] =	wrdreg s4  }
0xaa: {  	[dreg:$0x3] =	wrdreg s6  }
0xab: {  	[dreg:$0x4] =	wrdreg $0xC0  }
0xac: {  	_ =	task [dreg:s8], $0x5FFFF  }
0xad: {  	[dreg:$0x1] =	wrdreg $0xFFFFFFFF  }
0xae: {  	[dreg:$0x0] =	wrdreg $0x60  }
0xaf: {  	[dreg:$0x2] =	wrdreg s2  }
0xb0: {  	[dreg:$0x3] =	wrdreg s24  }
0xb1: {  	[dreg:$0x4] =	wrdreg s18  }
0xb2: {  	[dreg:$0x5] =	wrdreg $0x40000  }
0xb3: {  	[dreg:$0x6] =	wrdreg $0x9  }
0xb4: {  	_ =	task.clear_ibuf [dreg:s8], $0x7FFFF;
	_ =	strace $0x90000046  }
0xb5: {  	s29 =	simm.s32 $0x9;
	_ =	strace $0x80000048  }
0xb6: {  	_ =	swait.ge [sflag:s29], $0x1  }
0xb7: {  	[sflag:s29] =	ssyncadd.s32 $0xFFFFFFFF  }
0xb8: {  	_ =	strace $0x90000048  }
0xb9: {  	_ =	sfence  }
0xba: {  	s30 =	sld [smem:$0x0];
	_ =	sdelay $0x2  }
0xbb: {  	s31 =	sshll.u32 s1, $0xD;
	s1 =	sshrl.u32 s1, $0x2  }
0xbc: {  	s3 =	sand.u32 $0x4000, s31;
	s1 =	sadd.s32 s1, s30  }
0xbd: {  	s0 =	sor.u32 s3, s0;
	s1 =	sshll.u32 s1, $0x11  }
0xbe: {  	s0 =	sor.u32 s1, s0  }
0xbf: {  	s0 =	sadd.s32 $0x8F2B, s0  }
0xc0: {  	[sflag:s0] =	ssyncadd.remote.s32 $0x1  }
0xc1: {  	_ =	sfence.sel $0xFFFF  }
0xc2: {  	[dreg:$0x0] =	wrdreg $0xFFFFFFFF;
	(pc) =	sbr.abs _section_cstart, $3  }
0xc3: {  	[dreg:$0x1] =	wrdreg $0xFFFFFFFF  }
0xc4: {  	_ =	task.clear_ibuf [dreg:s8], $0x2FFFF;
	_ =	strace $0x9FFFFFFF  }
0xc5: {  	(tm) =	ssettm $0x7FFFFFFF  }
tec
execute0_lowered:
.L_overlay_start_1:
0x0: {  	(tag) =	ssettag $0x1  }
0x1: {  	s0 =	rddreg [dreg:$0x0]  }
0x2: {  	s1 =	rddreg [dreg:$0x1]  }
0x3: {  	s4 =	rddreg [dreg:$0x2]  }
0x4: {  	s2 =	rddreg [dreg:$0x3]  }
0x5: {  	s3 =	simm.s32 $0x0;
	s26 =	stileid.u32;
	s5 =	srdreg.scid  }
0x6: {  	s14 =	simm.s32 $0x18080;
	s15 =	simm.s32 $0x18100;
	s16 =	simm.s32 $0x18180  }
0x7: {  	s17 =	simm.s32 $0x18200;
	s18 =	simm.s32 $0x18280;
	s28 =	simm.s32 $0x8  }
0x8: {  	s29 =	simm.s32 $0x9;
	s30 =	simm.s32 $0xA;
	s31 =	simm.s32 $0xB  }
0x9: {  	[smem:$0x7FF] =	sst s3;
	s6 =	smul.u32 $0x14000, s26;
	s5 =	sand.u32 $0x1, s5  }
0xa: {  	s7 =	sshll.u32 s26, $0x1;
	s8 =	sadd.s32 $0x2400, s1;
	s11 =	smul.u32 $0x50000, s26  }
0xb: {  	s12 =	smul.u32 $0x9C, s26;
	s25 =	sshll.u32 s26, $0x6;
	p0 =	sgt.u32 s26, $0x1  }
0xc: {  	s26 =	simm.s32 $0x7;
	_ =	strace $0x80000047;
	s21 =	smul.u32 $0x140000, s5  }
0xd: {  	[dreg:$0x5] =	wrdreg s8;
	s7 =	sor.u32 s5, s7;
	s22 =	smul.u32 $0x4E, s5  }
0xe: {  	s9 =	ssub.s32 $0x2, s5;
	s19 =	sshrl.u32 s6, $0x3;
	s10 =	smul.u32 $0x4E, s7  }
0xf: {  	s20 =	sshrl.u32 s9, $0x1;
	s7 =	smin.u32 s7, $0x4;
	s11 =	sshrl.u32 s11, $0x2  }
0x10: {  	s1 =	sadd.s32 s19, s1;
	s8 =	ssub.s32 s9, s20;
	s13 =	sadd.s32 s11, s2  }
0x11: {  	s6 =	sadd.s32 s6, s21;
	s11 =	sor.u32 $0x1C0D, s25;
	s19 =	simm.s32 $0x1  }
0x12: {  	s20 =	simm.s32 $0x80;
	s21 =	simm.s32 $0x2;
	s25 =	simm.s32 $0x6  }
0x13: {  	s10 =	sadd.s32 s7, s10;
	s1 =	sadd.s32 $0x2C00, s1;
	s7 =	sadd.s32 s12, s7  }
0x14: {  	s6 =	sshrl.u32 s6, $0x3;
	s24 =	smax.u32 s8, $0x1;
	s12 =	sshrl.u32 s13, $0x3  }
0x15: {  	s13 =	simm.s32 $0x18000;
	[dreg:$0x6] =	wrdreg s1;
	s23 =	sshll.u32 s10, $0x5  }
0x16: {  	s1 =	sadd.s32 s22, s7;
	s4 =	sadd.s32 s4, s6;
	[dreg:$0x9] =	wrdreg s24  }
0x17: {  	s10 =	simm.s32 $0xD;
	s22 =	simm.s32 $0x3;
	s24 =	simm.s32 $0x5  }
0x18: {  	s5 =	sadd.s32 s23, s0;
	[dreg:$0x8] =	wrdreg s4;
	s1 =	sshll.u32 s1, $0x5  }
0x19: {  	s23 =	simm.s32 $0x4;
	s5 =	sadd.s32 $0x9D0, s5;
	s9 =	sadd.s32 s1, s0  }
0x1a: {  	s0 =	simm.s32 $0xC;
	s1 =	simm.s32 $0x0;
	[dreg:$0x7] =	wrdreg s5  }
.LBB2_1:
0x1b: {  	s4 =	rddreg [dreg:$0x5]  }
0x1c: {  	[tilespmem:s3], [sflag:$0xD] =	stream.linear.gather [hbm4b:s4+s3], $0x4000, $0x38;
	[tilespmem:$0x18300] =	vst v63  }
0x1d: {  	_ =	swait.ge [sflag:s10], $0x4000  }
0x1e: {  	[sflag:s10] =	ssyncset.done $0x0  }
0x1f: {  	s7 =	rddreg [dreg:$0x6];
	[sflag:s10] =	ssyncadd.s32 $0xFFFFC000  }
0x20: {  	[spmem:s12], [sflag:s11] =	dma.local [hbm:s7], $0x2800  }
0x21: {  	_ =	swait.ge [sflag:s10], $0x2800  }
0x22: {  	[sflag:s10] =	ssyncset.done $0x0  }
0x23: {  	s4 =	sadd.s32 $0x0, s9;
	[sflag:s10] =	ssyncadd.s32 $0xFFFFD800  }
0x24: {  	s5 =	sadd.s32 $0x10, s4;
	[bflag:$0x0] =	sbarrier.arrive $0xFFFF  }
0x25: {  	[tilespmem:s13], [sflag:$0x1] =	stream.linear.gather [hbm4b:s5+s3], $0x80, $0x38;
	[tilespmem:$0x18300] =	vst v63  }
0x26: {  	s8 =	sadd.s32 $0x30, s4  }
0x27: {  	[tilespmem:s14], [sflag:$0x2] =	stream.linear.gather [hbm4b:s8+s3], $0x80, $0x38;
	[tilespmem:$0x18300] =	vst v63  }
0x28: {  	s6 =	sadd.s32 $0x50, s4  }
0x29: {  	[tilespmem:s15], [sflag:$0x3] =	stream.linear.gather [hbm4b:s6+s3], $0x80, $0x38;
	[tilespmem:$0x18300] =	vst v63  }
0x2a: {  	s7 =	sadd.s32 $0x70, s4  }
0x2b: {  	[tilespmem:s16], [sflag:$0x4] =	stream.linear.gather [hbm4b:s7+s3], $0x80, $0x38;
	[tilespmem:$0x18300] =	vst v63  }
0x2c: {  	s8 =	sadd.s32 $0x90, s4  }
0x2d: {  	[tilespmem:s17], [sflag:$0x5] =	stream.linear.gather [hbm4b:s8+s3], $0x80, $0x38;
	[tilespmem:$0x18300] =	vst v63  }
0x2e: {  	s4 =	sadd.s32 $0xB0, s4  }
0x2f: {  	[tilespmem:s18], [sflag:$0x6] =	stream.linear.gather [hbm4b:s4+s3], $0x80, $0x38;
	[tilespmem:$0x18300] =	vst v63  }
0x30: {  	_ =	swait.ge [sflag:s19], $0x80  }
0x31: {  	[sflag:s19] =	ssyncset.done $0x0  }
0x32: {  	[sflag:s19] =	ssyncadd.s32 $0xFFFFFF80  }
0x33: {  	[spmem:s2] =	stream.indirect.scatter.add.f32 [tilespmem:s3], [sflag:$0x7], $0x80, s13, s20, $0xb8;
	[tilespmem:$0x18300] =	vst v63  }
0x34: {  	_ =	swait.ge [sflag:s21], $0x80  }
0x35: {  	[sflag:s21] =	ssyncset.done $0x0  }
0x36: {  	[sflag:s21] =	ssyncadd.s32 $0xFFFFFF80  }
0x37: {  	[spmem:s2] =	stream.indirect.scatter.add.f32 [tilespmem:s3], [sflag:$0x8], $0x80, s14, s20, $0xb8;
	[tilespmem:$0x18300] =	vst v63  }
0x38: {  	_ =	swait.ge [sflag:s22], $0x80  }
0x39: {  	[sflag:s22] =	ssyncset.done $0x0  }
0x3a: {  	[sflag:s22] =	ssyncadd.s32 $0xFFFFFF80  }
0x3b: {  	[spmem:s2] =	stream.indirect.scatter.add.f32 [tilespmem:s3], [sflag:$0x9], $0x80, s15, s20, $0xb8;
	[tilespmem:$0x18300] =	vst v63  }
0x3c: {  	_ =	swait.ge [sflag:s23], $0x80  }
0x3d: {  	[sflag:s23] =	ssyncset.done $0x0  }
0x3e: {  	[sflag:s23] =	ssyncadd.s32 $0xFFFFFF80  }
0x3f: {  	[spmem:s2] =	stream.indirect.scatter.add.f32 [tilespmem:s3], [sflag:$0xA], $0x80, s16, s20, $0xb8;
	[tilespmem:$0x18300] =	vst v63  }
0x40: {  	_ =	swait.ge [sflag:s24], $0x80  }
0x41: {  	[sflag:s24] =	ssyncset.done $0x0  }
0x42: {  	[sflag:s24] =	ssyncadd.s32 $0xFFFFFF80  }
0x43: {  	[spmem:s2] =	stream.indirect.scatter.add.f32 [tilespmem:s3], [sflag:$0xB], $0x80, s17, s20, $0xb8;
	[tilespmem:$0x18300] =	vst v63  }
0x44: {  	_ =	swait.ge [sflag:s25], $0x80  }
0x45: {  	[sflag:s25] =	ssyncset.done $0x0  }
0x46: {  	[sflag:s25] =	ssyncadd.s32 $0xFFFFFF80  }
0x47: {  	[spmem:s2] =	stream.indirect.scatter.add.f32 [tilespmem:s3], [sflag:$0xC], $0x80, s18, s20, $0xb8;
	[tilespmem:$0x18300] =	vst v63  }
0x48: {  	_ =	swait.ge [sflag:s26], $0x4000  }
0x49: {  	[sflag:s26] =	ssyncset.done $0x0  }
0x4a: {  	[sflag:s26] =	ssyncadd.s32 $0xFFFFC000  }
0x4b: {  	_ =	swait.ge [sflag:s28], $0x4000  }
0x4c: {  	[sflag:s28] =	ssyncset.done $0x0  }
0x4d: {  	[sflag:s28] =	ssyncadd.s32 $0xFFFFC000  }
0x4e: {  	_ =	swait.ge [sflag:s29], $0x4000  }
0x4f: {  	[sflag:s29] =	ssyncset.done $0x0  }
0x50: {  	[sflag:s29] =	ssyncadd.s32 $0xFFFFC000  }
0x51: {  	_ =	swait.ge [sflag:s30], $0x4000  }
0x52: {  	[sflag:s30] =	ssyncset.done $0x0  }
0x53: {  	[sflag:s30] =	ssyncadd.s32 $0xFFFFC000  }
0x54: {  	_ =	swait.ge [sflag:s31], $0x4000  }
0x55: {  	[sflag:s31] =	ssyncset.done $0x0  }
0x56: {  	[sflag:s31] =	ssyncadd.s32 $0xFFFFC000  }
0x57: {  	_ =	swait.ge [sflag:s0], $0x4000  }
0x58: {  	s6 =	sadd.s32 $0xC0, s9;
	s4 =	simm.s32 $0x180;
	[sflag:s0] =	ssyncset.done $0x0  }
.LBB2_2:
0x59: {  	s8 =	sadd.s32 $0x10, s6  }
0x5a: {  	[sflag:s0] =	ssyncadd.s32 $0xFFFFC000;
	s5 =	smov.u32 s4;
	s7 =	sadd.s32 $0xC0, s4  }
0x5b: {  	[tilespmem:s13], [sflag:$0x1] =	stream.linear.gather [hbm4b:s8+s3], $0x80, $0x38;
	[tilespmem:$0x18300] =	vst v63  }
0x5c: {  	p1 =	sne.s32 s4, $0x900;
	s4 =	sadd.s32 $0x30, s6  }
0x5d: {  	[tilespmem:s14], [sflag:$0x2] =	stream.linear.gather [hbm4b:s4+s3], $0x80, $0x38;
	[tilespmem:$0x18300] =	vst v63  }
0x5e: {  	s4 =	sadd.s32 $0x50, s6  }
0x5f: {  	[tilespmem:s15], [sflag:$0x3] =	stream.linear.gather [hbm4b:s4+s3], $0x80, $0x38;
	[tilespmem:$0x18300] =	vst v63  }
0x60: {  	s4 =	sadd.s32 $0x70, s6  }
0x61: {  	[tilespmem:s16], [sflag:$0x4] =	stream.linear.gather [hbm4b:s4+s3], $0x80, $0x38;
	[tilespmem:$0x18300] =	vst v63  }
0x62: {  	s4 =	sadd.s32 $0x90, s6  }
0x63: {  	[tilespmem:s17], [sflag:$0x5] =	stream.linear.gather [hbm4b:s4+s3], $0x80, $0x38;
	[tilespmem:$0x18300] =	vst v63  }
0x64: {  	s4 =	sadd.s32 $0xB0, s6  }
0x65: {  	[tilespmem:s18], [sflag:$0x6] =	stream.linear.gather [hbm4b:s4+s3], $0x80, $0x38;
	[tilespmem:$0x18300] =	vst v63  }
0x66: {  	_ =	swait.ge [sflag:s19], $0x80  }
0x67: {  	[sflag:s19] =	ssyncset.done $0x0  }
0x68: {  	[sflag:s19] =	ssyncadd.s32 $0xFFFFFF80  }
0x69: {  	[spmem:s2] =	stream.indirect.scatter.add.f32 [tilespmem:s3], [sflag:$0x7], $0x80, s13, s20, $0xb8;
	[tilespmem:$0x18300] =	vst v63  }
0x6a: {  	_ =	swait.ge [sflag:s21], $0x80  }
0x6b: {  	[sflag:s21] =	ssyncset.done $0x0  }
0x6c: {  	[sflag:s21] =	ssyncadd.s32 $0xFFFFFF80  }
0x6d: {  	[spmem:s2] =	stream.indirect.scatter.add.f32 [tilespmem:s3], [sflag:$0x8], $0x80, s14, s20, $0xb8;
	[tilespmem:$0x18300] =	vst v63  }
0x6e: {  	_ =	swait.ge [sflag:s22], $0x80  }
0x6f: {  	[sflag:s22] =	ssyncset.done $0x0  }
0x70: {  	[sflag:s22] =	ssyncadd.s32 $0xFFFFFF80  }
0x71: {  	[spmem:s2] =	stream.indirect.scatter.add.f32 [tilespmem:s3], [sflag:$0x9], $0x80, s15, s20, $0xb8;
	[tilespmem:$0x18300] =	vst v63  }
0x72: {  	_ =	swait.ge [sflag:s23], $0x80  }
0x73: {  	[sflag:s23] =	ssyncset.done $0x0  }
0x74: {  	[sflag:s23] =	ssyncadd.s32 $0xFFFFFF80  }
0x75: {  	[spmem:s2] =	stream.indirect.scatter.add.f32 [tilespmem:s3], [sflag:$0xA], $0x80, s16, s20, $0xb8;
	[tilespmem:$0x18300] =	vst v63  }
0x76: {  	_ =	swait.ge [sflag:s24], $0x80  }
0x77: {  	[sflag:s24] =	ssyncset.done $0x0  }
0x78: {  	[sflag:s24] =	ssyncadd.s32 $0xFFFFFF80  }
0x79: {  	[spmem:s2] =	stream.indirect.scatter.add.f32 [tilespmem:s3], [sflag:$0xB], $0x80, s17, s20, $0xb8;
	[tilespmem:$0x18300] =	vst v63  }
0x7a: {  	_ =	swait.ge [sflag:s25], $0x80  }
0x7b: {  	[sflag:s25] =	ssyncset.done $0x0  }
0x7c: {  	[sflag:s25] =	ssyncadd.s32 $0xFFFFFF80  }
0x7d: {  	[spmem:s2] =	stream.indirect.scatter.add.f32 [tilespmem:s3], [sflag:$0xC], $0x80, s18, s20, $0xb8;
	[tilespmem:$0x18300] =	vst v63  }
0x7e: {  	_ =	swait.ge [sflag:s26], $0x4000  }
0x7f: {  	[sflag:s26] =	ssyncset.done $0x0  }
0x80: {  	[sflag:s26] =	ssyncadd.s32 $0xFFFFC000  }
0x81: {  	_ =	swait.ge [sflag:s28], $0x4000  }
0x82: {  	[sflag:s28] =	ssyncset.done $0x0  }
0x83: {  	[sflag:s28] =	ssyncadd.s32 $0xFFFFC000  }
0x84: {  	_ =	swait.ge [sflag:s29], $0x4000  }
0x85: {  	[sflag:s29] =	ssyncset.done $0x0  }
0x86: {  	[sflag:s29] =	ssyncadd.s32 $0xFFFFC000  }
0x87: {  	_ =	swait.ge [sflag:s30], $0x4000  }
0x88: {  	[sflag:s30] =	ssyncset.done $0x0  }
0x89: {  	[sflag:s30] =	ssyncadd.s32 $0xFFFFC000  }
.Ltmp0:
0x8a: {  	_ =	swait.ge [sflag:s31], $0x4000;
	(pc) =	sbr.rel @p1 .LBB2_2-.Ltmp0, $4  }
0x8b: {  	[sflag:s31] =	ssyncset.done $0x0  }
0x8c: {  	[sflag:s31] =	ssyncadd.s32 $0xFFFFC000  }
0x8d: {  	_ =	swait.ge [sflag:s0], $0x4000  }
0x8e: {  	s6 =	sadd.s32 s5, s9;
	s4 =	smov.u32 s7;
	[sflag:s0] =	ssyncset.done $0x0  }
0x8f: {  	s4 =	sadd.s32 $0x10, s6;
	[sflag:s0] =	ssyncadd.s32 $0xFFFFC000  }
0x90: {  	[tilespmem:s13], [sflag:$0x1] =	stream.linear.gather [hbm4b:s4+s3], $0x80, $0x38;
	[tilespmem:$0x18300] =	vst v63  }
0x91: {  	s5 =	sadd.s32 $0x30, s6  }
0x92: {  	[tilespmem:s14], [sflag:$0x2] =	stream.linear.gather [hbm4b:s5+s3], $0x80, $0x38;
	[tilespmem:$0x18300] =	vst v63  }
0x93: {  	s7 =	sadd.s32 $0x50, s6  }
0x94: {  	[tilespmem:s15], [sflag:$0x3] =	stream.linear.gather [hbm4b:s7+s3], $0x80, $0x38;
	[tilespmem:$0x18300] =	vst v63  }
0x95: {  	s8 =	sadd.s32 $0x70, s6  }
0x96: {  	[tilespmem:s16], [sflag:$0x4] =	stream.linear.gather [hbm4b:s8+s3], $0x80, $0x38;
	[tilespmem:$0x18300] =	vst v63  }
0x97: {  	s5 =	sadd.s32 $0x90, s6  }
0x98: {  	[tilespmem:s17], [sflag:$0x5] =	stream.linear.gather [hbm4b:s5+s3], $0x80, $0x38;
	[tilespmem:$0x18300] =	vst v63  }
0x99: {  	s6 =	sadd.s32 $0xB0, s6  }
0x9a: {  	[tilespmem:s18], [sflag:$0x6] =	stream.linear.gather [hbm4b:s6+s3], $0x80, $0x38;
	[tilespmem:$0x18300] =	vst v63  }
0x9b: {  	_ =	swait.ge [sflag:s19], $0x80  }
0x9c: {  	[sflag:s19] =	ssyncset.done $0x0  }
0x9d: {  	[sflag:s19] =	ssyncadd.s32 $0xFFFFFF80  }
0x9e: {  	[spmem:s2] =	stream.indirect.scatter.add.f32 [tilespmem:s3], [sflag:$0x7], $0x80, s13, s20, $0xb8;
	[tilespmem:$0x18300] =	vst v63  }
0x9f: {  	_ =	swait.ge [sflag:s21], $0x80  }
0xa0: {  	[sflag:s21] =	ssyncset.done $0x0  }
0xa1: {  	[sflag:s21] =	ssyncadd.s32 $0xFFFFFF80  }
0xa2: {  	[spmem:s2] =	stream.indirect.scatter.add.f32 [tilespmem:s3], [sflag:$0x8], $0x80, s14, s20, $0xb8;
	[tilespmem:$0x18300] =	vst v63  }
0xa3: {  	_ =	swait.ge [sflag:s22], $0x80  }
0xa4: {  	[sflag:s22] =	ssyncset.done $0x0  }
0xa5: {  	[sflag:s22] =	ssyncadd.s32 $0xFFFFFF80  }
0xa6: {  	[spmem:s2] =	stream.indirect.scatter.add.f32 [tilespmem:s3], [sflag:$0x9], $0x80, s15, s20, $0xb8;
	[tilespmem:$0x18300] =	vst v63  }
0xa7: {  	_ =	swait.ge [sflag:s23], $0x80  }
0xa8: {  	[sflag:s23] =	ssyncset.done $0x0  }
0xa9: {  	[sflag:s23] =	ssyncadd.s32 $0xFFFFFF80  }
0xaa: {  	[spmem:s2] =	stream.indirect.scatter.add.f32 [tilespmem:s3], [sflag:$0xA], $0x80, s16, s20, $0xb8;
	[tilespmem:$0x18300] =	vst v63  }
0xab: {  	_ =	swait.ge [sflag:s24], $0x80  }
0xac: {  	[sflag:s24] =	ssyncset.done $0x0  }
0xad: {  	[sflag:s24] =	ssyncadd.s32 $0xFFFFFF80  }
0xae: {  	[spmem:s2] =	stream.indirect.scatter.add.f32 [tilespmem:s3], [sflag:$0xB], $0x80, s17, s20, $0xb8;
	[tilespmem:$0x18300] =	vst v63  }
0xaf: {  	_ =	swait.ge [sflag:s25], $0x80  }
0xb0: {  	[sflag:s25] =	ssyncset.done $0x0  }
0xb1: {  	[sflag:s25] =	ssyncadd.s32 $0xFFFFFF80  }
0xb2: {  	[spmem:s2] =	stream.indirect.scatter.add.f32 [tilespmem:s3], [sflag:$0xC], $0x80, s18, s20, $0xb8;
	[tilespmem:$0x18300] =	vst v63  }
0xb3: {  	_ =	swait.ge [sflag:s26], $0x4000  }
0xb4: {  	[sflag:s26] =	ssyncset.done $0x0  }
0xb5: {  	[sflag:s26] =	ssyncadd.s32 $0xFFFFC000  }
0xb6: {  	_ =	swait.ge [sflag:s28], $0x4000  }
0xb7: {  	[sflag:s28] =	ssyncset.done $0x0  }
0xb8: {  	[sflag:s28] =	ssyncadd.s32 $0xFFFFC000  }
0xb9: {  	_ =	swait.ge [sflag:s29], $0x4000  }
0xba: {  	[sflag:s29] =	ssyncset.done $0x0  }
0xbb: {  	[sflag:s29] =	ssyncadd.s32 $0xFFFFC000  }
0xbc: {  	_ =	swait.ge [sflag:s30], $0x4000  }
0xbd: {  	[sflag:s30] =	ssyncset.done $0x0  }
0xbe: {  	[sflag:s30] =	ssyncadd.s32 $0xFFFFC000  }
0xbf: {  	_ =	swait.ge [sflag:s31], $0x4000  }
0xc0: {  	[sflag:s31] =	ssyncset.done $0x0  }
0xc1: {  	[sflag:s31] =	ssyncadd.s32 $0xFFFFC000  }
0xc2: {  	_ =	swait.ge [sflag:s0], $0x4000  }
0xc3: {  	s4 =	simm.s32 @!p0 $0x0;
	[sflag:s0] =	ssyncset.done $0x0  }
0xc4: {  	s5 =	simm.s32 @!p0 $0x18000;
	s6 =	rddreg [dreg:$0x7];
	[sflag:s0] =	ssyncadd.s32 $0xFFFFC000  }
0xc5: {  	[tilespmem:s5], [sflag:$0xD] =	stream.linear.gather @!p0 [hbm4b:s6+s4], $0x80, $0x38;
	[tilespmem:$0x18300] =	vst v63  }
0xc6: {  	s6 =	simm.s32 @!p0 $0xD  }
0xc7: {  	_ =	swait.ge @!p0 [sflag:s6], $0x80  }
0xc8: {  	[sflag:s6] =	ssyncset.done @!p0 $0x0  }
0xc9: {  	s7 =	simm.s32 @!p0 $0x80;
	[sflag:s6] =	ssyncadd.s32 @!p0 $0xFFFFFF80  }
0xca: {  	[spmem:s2] =	stream.indirect.scatter.add.f32 @!p0 [tilespmem:s4], [sflag:$0xD], $0x80, s5, s7, $0xb8;
	[tilespmem:$0x18300] =	vst v63  }
0xcb: {  	_ =	swait.ge @!p0 [sflag:s6], $0x4000  }
0xcc: {  	[sflag:s6] =	ssyncset.done @!p0 $0x0  }
0xcd: {  	[sflag:s6] =	ssyncadd.s32 @!p0 $0xFFFFC000  }
0xce: {  	[bflag:$0x0] =	sbarrier.arrive $0xFFFF  }
0xcf: {  	s7 =	rddreg [dreg:$0x8]  }
0xd0: {  	[hbm:s7], [sflag:s11] =	dma.local [spmem:s12], $0x2800  }
0xd1: {  	_ =	swait.ge [sflag:s10], $0x2800  }
0xd2: {  	s1 =	sadd.s32 $0x1, s1;
	s8 =	rddreg [dreg:$0x9]  }
0xd3: {  	p1 =	sne.s32 s1, s8  }
.Ltmp1:
0xd4: {  	_ = 	snop;
	(pc) =	sbr.rel @p1 .LBB2_1-.Ltmp1, $3  }
0xd5: {  	_ =	sdelay $0x1  }
0xd6: {  	[sflag:s10] =	ssyncset.done $0x0  }
0xd7: {  	[sflag:s10] =	ssyncadd.s32 $0xFFFFD800  }
0xd8: {  	_ =	sfence.sel $0x180000  }
0xd9: {  	[bflag:$0x0] =	sbarrier.arrive $0xFFFF  }
0xda: {  	_ =	strace $0x90000047  }
0xdb: {  	s0 =	stileid.u32;
	[bflag:$0x2] =	sbarrier.arrive $0xFFFF  }
0xdc: {  	p0 =	sne.s32 s0, $0x0;
	s0 =	rddreg [dreg:$0x4]  }
0xdd: {  	s0 =	sadd.s32 @!p0 $0x100000, s0  }
0xde: {  	[sflag:s0] =	ssyncadd.tile.s32 @!p0 $0x1;
	_ =	shalt  }
.Lfunc_end2:
_tile_overlayer_lowered:
.L_overlay_start_2:
0xdf: {  	(tag) =	ssettag $0x2  }
0xe0: {  	s0 =	rddreg [dreg:$0x0];
	s2 =	stileid.u32  }
0xe1: {  	s1 =	rddreg [dreg:$0x1];
	p0 =	sne.s32 s2, $0x0  }
0xe2: {  	s3 =	rddreg [dreg:$0x2];
	[bflag:$0x3] =	sbarrier.arrive $0xFFFF;
	s2 =	simm.s32 @!p0 $0x1C0D  }
0xe3: {  	[timem:s3], [sflag:s2] =	dma.local @!p0 [hbm:s0], s1  }
0xe4: {  	s0 =	simm.s32 @!p0 $0xD  }
0xe5: {  	_ =	swait.ge @!p0 [sflag:s0], s1  }
0xe6: {  	s1 =	ssub.s32 @!p0 $0x0, s1;
	[sflag:s0] =	ssyncset.done @!p0 $0x0  }
0xe7: {  	[sflag:s0] =	ssyncadd.s32 @!p0 s1  }
0xe8: {  	[bflag:$0x3] =	sbarrier.arrive $0xFFFF  }
0xe9: {  	_ =	shalt  }

// kernel: kernel.9.cloned.1.call-start
scs
__scs_entry_jumppad:
0x0: {  	(pc) =	sbr.rel $0x88, $3  }
0x1: {  	(tag) =	ssettag $0x0;
	lr =	simm.s32 $0x1  }
0x2: {  	[smem:$0x3F99] =	sst lr;
	_ =	strace $0xD0000000  }
0x3: {  	_ = 	snop  }
0x4: {  	_ = 	snop  }
0x5: {  	_ = 	snop  }
0x6: {  	_ = 	snop  }
0x7: {  	_ = 	snop  }
__scs_overlays_trampoline_lowered:
0x8: {  	[smem:$0x3FA8] =	sst s0  }
0x9: {  	[smem:$0x3FA9] =	sst s1  }
0xa: {  	[smem:$0x3FAA] =	sst s2  }
0xb: {  	[smem:$0x3FAB] =	sst s3  }
0xc: {  	[smem:$0x3FAC] =	sst s4  }
0xd: {  	[smem:$0x3FAD] =	sst s5  }
0xe: {  	[smem:$0x3FAE] =	sst s6  }
0xf: {  	[smem:$0x3FAF] =	sst s7  }
0x10: {  	[smem:$0x3FB0] =	sst s8  }
0x11: {  	[smem:$0x3FB1] =	sst s9;
	s0 =	simm.s32 @!p0 $0x0  }
0x12: {  	s1 =	sld [smem:$0x3F97];
	s0 =	simm.s32 @p0 $0x1  }
0x13: {  	[smem:$0x3FB2] =	sst s0;
	s0 =	simm.s32 @!p1 $0x0  }
0x14: {  	s2 =	sld [smem:$0x3F96];
	s0 =	simm.s32 @p1 $0x1  }
0x15: {  	[smem:$0x3FB3] =	sst s0;
	s0 =	simm.s32 @!p2 $0x0  }
0x16: {  	s3 =	sld [smem:$0x3FDB];
	s0 =	simm.s32 @p2 $0x1  }
0x17: {  	s4 =	simm.s32 $0x1BF5;
	[smem:$0x3FB5] =	sst s0  }
0x18: {  	s0 =	sld [smem:$0x3F98];
	_ =	swait.ge [sflag:s4], $0x0  }
0x19: {  	s7 =	sld [smem:$0x3F99]  }
0x1a: {  	s8 =	sadd.s32 $0xFFFFE003, lr  }
0x1b: {  	s9 =	sadd.s32 $0xFFFFFEF7, lr;
	s5 =	simm.s32 $0xFFFFFFFF;
	p2 =	slt.u32 s8, $0xFFFFF086  }
0x1c: {  	p1 =	slt.u32 s9, $0xF7A;
	s5 =	simm.s32 @!p2 $0x0  }
0x1d: {  	s5 =	simm.s32 @p1 $0x1;
	p0 =	seq.s32 s7, s2  }
0x1e: {  	s7 =	smul.u32 @!p0 $0xF7A, s2;
	p2 =	seq.s32 @!p0 s5, $0x0  }
0x1f: {  	s9 =	smul.u32 $0xF7A, s1;
	s8 =	simm.s32 @!p0 $0x1BF5;
	p2 =	por !p2, p0  }
0x20: {  	[sflag:s8] =	ssyncset.s32 @!p0 $0xFFFFF086;
	s6 =	sadd.s32 @!p0 s3, s7;
	s7 =	simm.s32 @!p0 $0x108  }
0x21: {  	s3 =	sadd.s32 s3, s9;
	s6 =	sadd.s32 @!p0 $0x88, s6;
	s7 =	simm.s32 @p2 $0x1082  }
0x22: {  	[simem:s7], [sflag:s8] =	dma.local @!p0 [hbm:s6], $0xF7A  }
0x23: {  	s9 =	sor.u32 $0xD0000000, s2;
	s6 =	simm.s32 $0x108;
	_ =	swait.ge @!p0 [sflag:s8], $0x0  }
0x24: {  	s3 =	sadd.s32 $0x88, s3;
	s6 =	simm.s32 @!p1 $0x1082;
	[sflag:s4] =	ssyncset.s32 $0xFFFFF086  }
0x25: {  	[simem:s6], [sflag:s4] =	dma.local [hbm:s3], $0xF7A  }
0x26: {  	[smem:$0x3F99] =	sst s1;
	(tag) =	ssettag s2;
	_ =	strace s9  }
0x27: {  	s1 =	sld [smem:$0x3FA9]  }
0x28: {  	s2 =	sld [smem:$0x3FAA]  }
0x29: {  	s4 =	sld [smem:$0x3FAC]  }
0x2a: {  	p0 =	seq.s32 s5, $0x0;
	s5 =	sld [smem:$0x3FAD]  }
0x2b: {  	s6 =	sld [smem:$0x3FAE]  }
0x2c: {  	s7 =	sld [smem:$0x3FAF]  }
0x2d: {  	s3 =	simm.s32 $0x108;
	s8 =	sld [smem:$0x3FB0]  }
0x2e: {  	s3 =	simm.s32 @!p0 $0x1082;
	s9 =	sld [smem:$0x3FB1]  }
0x2f: {  	lr =	sadd.s32 s0, s3;
	s0 =	sld [smem:$0x3FA8]  }
0x30: {  	s3 =	sld [smem:$0x3FAB]  }
0x31: {  	[smem:$0x3FB4] =	sst s10  }
0x32: {  	s10 =	sld [smem:$0x3FB2];
	_ =	sdelay $0x3  }
0x33: {  	p0 =	seq.s32 s10, $0x1;
	s10 =	sld [smem:$0x3FB4];
	_ =	sdelay $0x3  }
0x34: {  	[smem:$0x3FB4] =	sst s10  }
0x35: {  	s10 =	sld [smem:$0x3FB3];
	_ =	sdelay $0x3  }
0x36: {  	p1 =	seq.s32 s10, $0x1;
	s10 =	sld [smem:$0x3FB4];
	_ =	sdelay $0x3  }
0x37: {  	[smem:$0x3FB4] =	sst s10  }
0x38: {  	s10 =	sld [smem:$0x3FB5]  }
0x39: {  	_ = 	snop;
	(pc) =	sbr.ind lr, $3  }
0x3a: {  	_ = 	snop  }
0x3b: {  	_ = 	snop  }
0x3c: {  	p2 =	seq.s32 s10, $0x1;
	s10 =	sld [smem:$0x3FB4]  }
0x3d: {  	_ =	shalt  }
0x3e: {  	_ =	shalt  }
0x3f: {  	_ =	shalt  }
0x40: {  	_ =	shalt  }
0x41: {  	_ =	shalt  }
0x42: {  	_ =	shalt  }
0x43: {  	_ =	shalt  }
0x44: {  	_ =	shalt  }
0x45: {  	_ =	shalt  }
0x46: {  	_ =	shalt  }
0x47: {  	_ =	shalt  }
0x48: {  	_ =	shalt  }
0x49: {  	_ =	shalt  }
0x4a: {  	_ =	shalt  }
0x4b: {  	_ =	shalt  }
0x4c: {  	_ =	shalt  }
0x4d: {  	_ =	shalt  }
0x4e: {  	_ =	shalt  }
0x4f: {  	_ =	shalt  }
0x50: {  	_ =	shalt  }
0x51: {  	_ =	shalt  }
0x52: {  	_ =	shalt  }
0x53: {  	_ =	shalt  }
0x54: {  	_ =	shalt  }
0x55: {  	_ =	shalt  }
0x56: {  	_ =	shalt  }
0x57: {  	_ =	shalt  }
0x58: {  	_ =	shalt  }
0x59: {  	_ =	shalt  }
0x5a: {  	_ =	shalt  }
0x5b: {  	_ =	shalt  }
0x5c: {  	_ =	shalt  }
0x5d: {  	_ =	shalt  }
0x5e: {  	_ =	shalt  }
0x5f: {  	_ =	shalt  }
0x60: {  	_ =	shalt  }
0x61: {  	_ =	shalt  }
0x62: {  	_ =	shalt  }
0x63: {  	_ =	shalt  }
0x64: {  	_ =	shalt  }
0x65: {  	_ =	shalt  }
0x66: {  	_ =	shalt  }
0x67: {  	_ =	shalt  }
0x68: {  	_ =	shalt  }
0x69: {  	_ =	shalt  }
0x6a: {  	_ =	shalt  }
0x6b: {  	_ =	shalt  }
0x6c: {  	_ =	shalt  }
0x6d: {  	_ =	shalt  }
0x6e: {  	_ =	shalt  }
0x6f: {  	_ =	shalt  }
0x70: {  	_ =	shalt  }
0x71: {  	_ =	shalt  }
0x72: {  	_ =	shalt  }
0x73: {  	_ =	shalt  }
0x74: {  	_ =	shalt  }
0x75: {  	_ =	shalt  }
0x76: {  	_ =	shalt  }
0x77: {  	_ =	shalt  }
0x78: {  	_ =	shalt  }
0x79: {  	_ =	shalt  }
0x7a: {  	_ =	shalt  }
0x7b: {  	_ =	shalt  }
0x7c: {  	_ =	shalt  }
0x7d: {  	_ =	shalt  }
0x7e: {  	_ =	shalt  }
0x7f: {  	_ =	shalt  }
0x80: {  	_ =	shalt  }
0x81: {  	_ =	shalt  }
0x82: {  	_ =	shalt  }
0x83: {  	_ =	shalt  }
0x84: {  	_ =	shalt  }
0x85: {  	_ =	shalt  }
0x86: {  	_ =	shalt  }
0x87: {  	_ =	shalt  }
.Lfunc_end0:
.L_simem_size_0:
called_computation.1_lowered:
.L_overlay_start_0:
0x88: {  	s2 =	sld [smem:$0x3FD9]  }
0x89: {  	s3 =	sld [smem:$0x3FFE];
	_ =	sdelay $0x1  }
0x8a: {  	s1 =	srdreg.scid  }
0x8b: {  	s0 =	sand.u32 $0x1, s1  }
0x8c: {  	s17 =	sshll.u32 s0, $0xA;
	s2 =	sadd.s32 s3, s2  }
0x8d: {  	s2 =	sadd.s32 s2, s17  }
0x8e: {  	[smem:$0x3FC0] =	sst s2  }
0x8f: {  	_ = 	snop  }
0x90: {  	s2 =	sld [smem:$0x3FC8]  }
0x91: {  	s18 =	sld [smem:$0x3FD0];
	(tm) =	ssettm $0x1  }
0x92: {  	s4 =	sld [smem:$0x3FFB];
	_ =	sdelay $0x3  }
0x93: {  	_ =	strace s4  }
0x94: {  	s4 =	sld [smem:$0x3FFC];
	_ =	sdelay $0x3  }
0x95: {  	_ =	strace s4  }
0x96: {  	s4 =	sld [smem:$0x3FFD];
	_ =	sdelay $0x3  }
0x97: {  	_ =	strace s4  }
0x98: {  	_ =	strace $0x8FFFFFFF  }
0x99: {  	s19 =	sld [smem:$0x3FDB];
	_ =	sdelay $0x1  }
0x9a: {  	s5 =	simm.s32 $_scs_section_size  }
0x9b: {  	s6 =	simm.s32 $_size__tile_overlayer_lowered;
	s7 =	simm.s32 $_tile_overlayer_lowered  }
0x9c: {  	s22 =	simm.s32 $0x1BFF;
	s21 =	sshll.u32 s7, $0x1;
	s4 =	sadd.s32 s5, s19  }
0x9d: {  	s8 =	simm.s32 $0x0;
	s20 =	sshll.u32 s6, $0x1;
	s6 =	sadd.s32 s21, s4  }
0x9e: {  	[timem:s8], [sflag:s22] =	dma.local [hbm:s6], s20  }
0x9f: {  	_ =	swait.ge [sflag:s22], s20  }
0xa0: {  	s5 =	ssub.s32 $0x0, s20;
	[sflag:s22] =	ssyncset.done $0x0  }
0xa1: {  	[sflag:s22] =	ssyncadd.s32 s5;
	_ =	sdelay $0x1  }
0xa2: {  	s23 =	simm.s32 $0x1B8B  }
0xa3: {  	_ =	swait.ge [sflag:s23], $0x1  }
0xa4: {  	[sflag:s23] =	ssyncset.done $0x0  }
0xa5: {  	s25 =	simm.s32 $0x1B8E;
	s24 =	sld [smem:$0x3FFE];
	[sflag:s23] =	ssyncadd.s32 $0xFFFFFFFF  }
0xa6: {  	s26 =	simm.s32 $execute0_lowered;
	[smem:$0x3FD2] =	sst s25  }
0xa7: {  	s6 =	sshll.u32 s26, $0x1;
	_ =	strace $0x80000049;
	[dreg:$0x1] =	wrdreg $0xFFFFFFFF  }
0xa8: {  	s28 =	simm.s32 $_size_execute0_lowered;
	s4 =	sadd.s32 s4, s6;
	[dreg:$0x0] =	wrdreg $0x0  }
0xa9: {  	s6 =	sshll.u32 s28, $0x1;
	[dreg:$0x2] =	wrdreg s4  }
0xaa: {  	[dreg:$0x3] =	wrdreg s6  }
0xab: {  	[dreg:$0x4] =	wrdreg $0xC0  }
0xac: {  	_ =	task [dreg:s8], $0x5FFFF  }
0xad: {  	[dreg:$0x1] =	wrdreg $0xFFFFFFFF  }
0xae: {  	[dreg:$0x0] =	wrdreg $0x60  }
0xaf: {  	[dreg:$0x2] =	wrdreg s2  }
0xb0: {  	[dreg:$0x3] =	wrdreg s24  }
0xb1: {  	[dreg:$0x4] =	wrdreg s18  }
0xb2: {  	[dreg:$0x5] =	wrdreg $0xA8800  }
0xb3: {  	[dreg:$0x6] =	wrdreg $0x9  }
0xb4: {  	_ =	task.clear_ibuf [dreg:s8], $0x7FFFF;
	_ =	strace $0x90000049  }
0xb5: {  	s29 =	simm.s32 $0x9;
	_ =	strace $0x8000004B  }
0xb6: {  	_ =	swait.ge [sflag:s29], $0x1  }
0xb7: {  	[sflag:s29] =	ssyncadd.s32 $0xFFFFFFFF  }
0xb8: {  	_ =	strace $0x9000004B  }
0xb9: {  	_ =	sfence  }
0xba: {  	s30 =	sld [smem:$0x0];
	_ =	sdelay $0x2  }
0xbb: {  	s31 =	sshll.u32 s1, $0xD;
	s1 =	sshrl.u32 s1, $0x2  }
0xbc: {  	s3 =	sand.u32 $0x4000, s31;
	s1 =	sadd.s32 s1, s30  }
0xbd: {  	s0 =	sor.u32 s3, s0;
	s1 =	sshll.u32 s1, $0x11  }
0xbe: {  	s0 =	sor.u32 s1, s0  }
0xbf: {  	s0 =	sadd.s32 $0x8F2B, s0  }
0xc0: {  	[sflag:s0] =	ssyncadd.remote.s32 $0x1  }
0xc1: {  	_ =	sfence.sel $0xFFFF  }
0xc2: {  	[dreg:$0x0] =	wrdreg $0xFFFFFFFF;
	(pc) =	sbr.abs _section_cstart, $3  }
0xc3: {  	[dreg:$0x1] =	wrdreg $0xFFFFFFFF  }
0xc4: {  	_ =	task.clear_ibuf [dreg:s8], $0x2FFFF;
	_ =	strace $0x9FFFFFFF  }
0xc5: {  	(tm) =	ssettm $0x7FFFFFFF  }
tec
execute0_lowered:
.L_overlay_start_1:
0x0: {  	(tag) =	ssettag $0x1  }
0x1: {  	s0 =	rddreg [dreg:$0x0]  }
0x2: {  	s1 =	rddreg [dreg:$0x1]  }
0x3: {  	s11 =	rddreg [dreg:$0x2]  }
0x4: {  	s3 =	srdreg.scid;
	s15 =	stileid.u32  }
0x5: {  	s2 =	rddreg [dreg:$0x3];
	s16 =	simm.s32 $0x5;
	s19 =	simm.s32 $0x2780  }
0x6: {  	s20 =	simm.s32 $0x2800;
	s21 =	simm.s32 $0x2880;
	s22 =	simm.s32 $0x6880  }
0x7: {  	s29 =	simm.s32 $0x0;
	s7 =	sand.u32 $0x1, s3;
	s8 =	smul.u32 $0x50000, s15  }
0x8: {  	s4 =	sshll.u32 s15, $0x1;
	s3 =	simm.s32 $0x0;
	s10 =	smul.u32 $0x14000, s15  }
0x9: {  	s28 =	smul.u32 $0x9C, s15;
	s31 =	sshll.u32 s15, $0x6;
	p0 =	sgt.u32 s15, $0x1  }
0xa: {  	s5 =	sor.u32 s7, s4;
	[smem:$0x7FF] =	sst s3;
	s13 =	smul.u32 $0x140000, s7  }
0xb: {  	s4 =	sadd.s32 $0x2400, s1;
	s24 =	ssub.s32 $0x2, s7;
	s14 =	smul.u32 $0x4E, s7  }
0xc: {  	s17 =	sor.u32 $0x1C05, s31;
	s6 =	smul.u32 $0x4E, s5;
	_ =	strace $0x8000004A  }
0xd: {  	s23 =	smin.u32 s5, $0x4;
	s9 =	sshrl.u32 s24, $0x1;
	s25 =	sshrl.u32 s8, $0x2  }
0xe: {  	s26 =	sshrl.u32 s10, $0x3;
	s12 =	ssub.s32 s24, s9;
	s18 =	sadd.s32 s25, s2  }
0xf: {  	s30 =	sadd.s32 s4, s26;
	s1 =	sadd.s32 s28, s23;
	s13 =	sadd.s32 s10, s13  }
0x10: {  	s24 =	simm.s32 $0x3;
	s25 =	simm.s32 $0x2;
	s26 =	simm.s32 $0x4  }
0x11: {  	s6 =	sadd.s32 s23, s6;
	[dreg:$0x5] =	wrdreg s30;
	s1 =	sadd.s32 s14, s1  }
0x12: {  	s13 =	sshrl.u32 s13, $0x3;
	s12 =	smax.u32 s12, $0x1;
	s14 =	simm.s32 $0x80  }
0x13: {  	s18 =	sshrl.u32 s18, $0x3;
	s23 =	simm.s32 $0x1;
	s6 =	sshll.u32 s6, $0x5  }
0x14: {  	s1 =	sshll.u32 s1, $0x5;
	s11 =	sadd.s32 s11, s13;
	s5 =	sadd.s32 s0, s6  }
0x15: {  	s0 =	sadd.s32 s1, s0;
	s7 =	sadd.s32 $0x10, s5;
	s8 =	sadd.s32 $0x30, s5  }
0x16: {  	s9 =	sadd.s32 $0x9C0, s5;
	s10 =	sadd.s32 $0x9D0, s5;
	s1 =	sadd.s32 $0x70, s0  }
.LBB2_1:
0x17: {  	s0 =	simm.s32 $0x100  }
0x18: {  	[tilespmem:s3], [sflag:$0x5] =	stream.strided.gather [hbm4b:s5+s14], $0x2700, s0, s14, $0x38;
	[tilespmem:$0x1E880] =	vst v63  }
0x19: {  	_ =	swait.ge [sflag:s16], $0x2700  }
0x1a: {  	[sflag:s16] =	ssyncset.done $0x0  }
0x1b: {  	s6 =	rddreg [dreg:$0x5];
	[sflag:s16] =	ssyncadd.s32 $0xFFFFD900  }
0x1c: {  	[spmem:s18], [sflag:s17] =	dma.local [hbm:s6], $0x2800  }
0x1d: {  	_ =	swait.ge [sflag:s16], $0x2800  }
0x1e: {  	[sflag:s16] =	ssyncset.done $0x0  }
0x1f: {  	[sflag:s16] =	ssyncadd.s32 $0xFFFFD800  }
0x20: {  	[bflag:$0x0] =	sbarrier.arrive $0xFFFF  }
0x21: {  	[tilespmem:s19], [sflag:$0x3] =	stream.linear.gather [hbm4b:s7+s3], $0x80, $0x38;
	[tilespmem:$0x1E880] =	vst v63  }
0x22: {  	_ = 	snop  }
0x23: {  	[tilespmem:s20], [sflag:$0x4] =	stream.linear.gather [hbm4b:s8+s3], $0x80, $0x38;
	[tilespmem:$0x1E880] =	vst v63  }
0x24: {  	_ = 	snop  }
0x25: {  	[tilespmem:s21], [sflag:$0x1] =	stream.indirect.gather [hbm4b:s4+s14], $0x80, s3, s14, $0xb8;
	[tilespmem:$0x1E880] =	vst v63  }
0x26: {  	s13 =	simm.s32 $0x80  }
0x27: {  	[tilespmem:s22], [sflag:$0x2] =	stream.indirect.gather [hbm4b:s4+s14], $0x80, s13, s14, $0xb8;
	[tilespmem:$0x1E880] =	vst v63  }
0x28: {  	_ =	swait.ge [sflag:s23], $0x4000  }
0x29: {  	[sflag:s23] =	ssyncset.done $0x0  }
0x2a: {  	[sflag:s23] =	ssyncadd.s32 $0xFFFFC000  }
0x2b: {  	_ =	swait.ge [sflag:s24], $0x80  }
0x2c: {  	[sflag:s24] =	ssyncset.done $0x0  }
0x2d: {  	[sflag:s24] =	ssyncadd.s32 $0xFFFFFF80  }
0x2e: {  	[spmem:s2] =	stream.indirect.scatter.add.f32 [tilespmem:s21], [sflag:$0x5], $0x80, s19, s14, $0xb8;
	[tilespmem:$0x1E880] =	vst v63  }
0x2f: {  	_ =	swait.ge [sflag:s16], $0x4000  }
0x30: {  	[sflag:s16] =	ssyncset.done $0x0  }
0x31: {  	s15 =	sadd.s32 $0xFFFFFFE0, s1;
	[sflag:s16] =	ssyncadd.s32 $0xFFFFC000  }
0x32: {  	[tilespmem:s19], [sflag:$0x3] =	stream.linear.gather [hbm4b:s15+s3], $0x80, $0x38;
	[tilespmem:$0x1E880] =	vst v63  }
0x33: {  	s28 =	simm.s32 $0x100  }
0x34: {  	[tilespmem:s21], [sflag:$0x1] =	stream.indirect.gather [hbm4b:s4+s14], $0x80, s28, s14, $0xb8;
	[tilespmem:$0x1E880] =	vst v63  }
0x35: {  	_ =	swait.ge [sflag:s25], $0x4000  }
0x36: {  	[sflag:s25] =	ssyncset.done $0x0  }
0x37: {  	[sflag:s25] =	ssyncadd.s32 $0xFFFFC000  }
0x38: {  	_ =	swait.ge [sflag:s26], $0x80  }
0x39: {  	[sflag:s26] =	ssyncset.done $0x0  }
0x3a: {  	[sflag:s26] =	ssyncadd.s32 $0xFFFFFF80  }
0x3b: {  	[spmem:s2] =	stream.indirect.scatter.add.f32 [tilespmem:s22], [sflag:$0x5], $0x80, s20, s14, $0xb8;
	[tilespmem:$0x1E880] =	vst v63  }
0x3c: {  	_ =	swait.ge [sflag:s16], $0x4000  }
0x3d: {  	s31 =	simm.s32 $0xFFFFDB00;
	s30 =	sadd.s32 $0x40, s1;
	[sflag:s16] =	ssyncset.done $0x0  }
0x3e: {  	s0 =	simm.s32 $0xFFFF7000;
	s13 =	smov.u32 s1;
	[sflag:s16] =	ssyncadd.s32 $0xFFFFC000  }
.LBB2_2:
0x3f: {  	[tilespmem:s20], [sflag:$0x4] =	stream.linear.gather [hbm4b:s13+s3], $0x80, $0x38;
	[tilespmem:$0x1E880] =	vst v63  }
0x40: {  	s15 =	smov.u32 s0;
	s13 =	smov.u32 s30  }
0x41: {  	s28 =	sadd.s32 $0x400, s0;
	s6 =	sadd.s32 $0x2680, s31;
	s15 =	sshra.s32 s15, $0x2  }
0x42: {  	[tilespmem:s22], [sflag:$0x2] =	stream.indirect.gather [hbm4b:s4+s14], $0x80, s6, s14, $0xb8;
	[tilespmem:$0x1E880] =	vst v63  }
0x43: {  	p1 =	sne.s32 s0, $0xFFFFFC00;
	_ =	swait.ge [sflag:s23], $0x4000  }
0x44: {  	[sflag:s23] =	ssyncset.done $0x0  }
0x45: {  	[sflag:s23] =	ssyncadd.s32 $0xFFFFC000  }
0x46: {  	_ =	swait.ge [sflag:s24], $0x80  }
0x47: {  	[sflag:s24] =	ssyncset.done $0x0  }
0x48: {  	[sflag:s24] =	ssyncadd.s32 $0xFFFFFF80  }
0x49: {  	[spmem:s2] =	stream.indirect.scatter.add.f32 [tilespmem:s21], [sflag:$0x5], $0x80, s19, s14, $0xb8;
	[tilespmem:$0x1E880] =	vst v63  }
0x4a: {  	_ =	swait.ge [sflag:s16], $0x4000  }
0x4b: {  	[sflag:s16] =	ssyncset.done $0x0  }
0x4c: {  	s0 =	sadd.s32 $0xFFFFFFE0, s30;
	[sflag:s16] =	ssyncadd.s32 $0xFFFFC000  }
0x4d: {  	[tilespmem:s19], [sflag:$0x3] =	stream.linear.gather [hbm4b:s0+s3], $0x80, $0x38;
	[tilespmem:$0x1E880] =	vst v63  }
0x4e: {  	s0 =	sadd.s32 $0x2700, s31;
	s31 =	smov.u32 s15  }
0x4f: {  	[tilespmem:s21], [sflag:$0x1] =	stream.indirect.gather [hbm4b:s4+s14], $0x80, s0, s14, $0xb8;
	[tilespmem:$0x1E880] =	vst v63  }
0x50: {  	_ =	swait.ge [sflag:s25], $0x4000  }
0x51: {  	[sflag:s25] =	ssyncset.done $0x0  }
0x52: {  	[sflag:s25] =	ssyncadd.s32 $0xFFFFC000  }
0x53: {  	_ =	swait.ge [sflag:s26], $0x80  }
0x54: {  	[sflag:s26] =	ssyncset.done $0x0  }
.Ltmp0:
0x55: {  	[sflag:s26] =	ssyncadd.s32 $0xFFFFFF80;
	(pc) =	sbr.rel @p1 .LBB2_2-.Ltmp0, $4  }
0x56: {  	[spmem:s2] =	stream.indirect.scatter.add.f32 [tilespmem:s22], [sflag:$0x5], $0x80, s20, s14, $0xb8;
	[tilespmem:$0x1E880] =	vst v63  }
0x57: {  	_ =	swait.ge [sflag:s16], $0x4000  }
0x58: {  	[sflag:s16] =	ssyncset.done $0x0  }
0x59: {  	s30 =	sadd.s32 $0x40, s30;
	s0 =	smov.u32 s28;
	[sflag:s16] =	ssyncadd.s32 $0xFFFFC000  }
0x5a: {  	[tilespmem:s20], [sflag:$0x4] =	stream.linear.gather [hbm4b:s13+s3], $0x80, $0x38;
	[tilespmem:$0x1E880] =	vst v63  }
0x5b: {  	s0 =	sadd.s32 $0x2680, s31  }
0x5c: {  	[tilespmem:s22], [sflag:$0x2] =	stream.indirect.gather [hbm4b:s4+s14], $0x80, s0, s14, $0xb8;
	[tilespmem:$0x1E880] =	vst v63  }
0x5d: {  	_ =	swait.ge [sflag:s23], $0x4000  }
0x5e: {  	[sflag:s23] =	ssyncset.done $0x0  }
0x5f: {  	[sflag:s23] =	ssyncadd.s32 $0xFFFFC000  }
0x60: {  	_ =	swait.ge [sflag:s24], $0x80  }
0x61: {  	[sflag:s24] =	ssyncset.done $0x0  }
0x62: {  	[sflag:s24] =	ssyncadd.s32 $0xFFFFFF80  }
0x63: {  	[spmem:s2] =	stream.indirect.scatter.add.f32 [tilespmem:s21], [sflag:$0x5], $0x80, s19, s14, $0xb8;
	[tilespmem:$0x1E880] =	vst v63  }
0x64: {  	_ =	swait.ge [sflag:s16], $0x4000  }
0x65: {  	[sflag:s16] =	ssyncset.done $0x0  }
0x66: {  	s15 =	sadd.s32 $0xFFFFFFE0, s30;
	[sflag:s16] =	ssyncadd.s32 $0xFFFFC000  }
0x67: {  	[tilespmem:s19], [sflag:$0x3] =	stream.linear.gather [hbm4b:s15+s3], $0x80, $0x38;
	[tilespmem:$0x1E880] =	vst v63  }
0x68: {  	s28 =	sadd.s32 $0x2700, s31  }
0x69: {  	[tilespmem:s21], [sflag:$0x1] =	stream.indirect.gather [hbm4b:s4+s14], $0x80, s28, s14, $0xb8;
	[tilespmem:$0x1E880] =	vst v63  }
0x6a: {  	_ =	swait.ge [sflag:s25], $0x4000  }
0x6b: {  	[sflag:s25] =	ssyncset.done $0x0  }
0x6c: {  	[sflag:s25] =	ssyncadd.s32 $0xFFFFC000  }
0x6d: {  	_ =	swait.ge [sflag:s26], $0x80  }
0x6e: {  	[sflag:s26] =	ssyncset.done $0x0  }
0x6f: {  	[sflag:s26] =	ssyncadd.s32 $0xFFFFFF80  }
0x70: {  	[spmem:s2] =	stream.indirect.scatter.add.f32 [tilespmem:s22], [sflag:$0x5], $0x80, s20, s14, $0xb8;
	[tilespmem:$0x1E880] =	vst v63  }
0x71: {  	_ =	swait.ge [sflag:s16], $0x4000  }
0x72: {  	[sflag:s16] =	ssyncset.done $0x0  }
0x73: {  	[sflag:s16] =	ssyncadd.s32 $0xFFFFC000  }
0x74: {  	[tilespmem:s20], [sflag:$0x4] =	stream.linear.gather [hbm4b:s30+s3], $0x80, $0x38;
	[tilespmem:$0x1E880] =	vst v63  }
0x75: {  	s31 =	simm.s32 $0x2680  }
0x76: {  	[tilespmem:s22], [sflag:$0x2] =	stream.indirect.gather [hbm4b:s4+s14], $0x80, s31, s14, $0xb8;
	[tilespmem:$0x1E880] =	vst v63  }
0x77: {  	_ =	swait.ge [sflag:s23], $0x4000  }
0x78: {  	[sflag:s23] =	ssyncset.done $0x0  }
0x79: {  	[sflag:s23] =	ssyncadd.s32 $0xFFFFC000  }
0x7a: {  	_ =	swait.ge [sflag:s24], $0x80  }
0x7b: {  	[sflag:s24] =	ssyncset.done $0x0  }
0x7c: {  	[sflag:s24] =	ssyncadd.s32 $0xFFFFFF80  }
0x7d: {  	[spmem:s2] =	stream.indirect.scatter.add.f32 [tilespmem:s21], [sflag:$0x5], $0x80, s19, s14, $0xb8;
	[tilespmem:$0x1E880] =	vst v63  }
0x7e: {  	_ =	swait.ge [sflag:s16], $0x4000  }
0x7f: {  	[sflag:s16] =	ssyncset.done $0x0  }
0x80: {  	[sflag:s16] =	ssyncadd.s32 $0xFFFFC000  }
0x81: {  	_ =	swait.ge [sflag:s25], $0x4000  }
0x82: {  	[sflag:s25] =	ssyncset.done $0x0  }
0x83: {  	[sflag:s25] =	ssyncadd.s32 $0xFFFFC000  }
0x84: {  	_ =	swait.ge [sflag:s26], $0x80  }
0x85: {  	[sflag:s26] =	ssyncset.done $0x0  }
0x86: {  	[sflag:s26] =	ssyncadd.s32 $0xFFFFFF80  }
0x87: {  	[spmem:s2] =	stream.indirect.scatter.add.f32 [tilespmem:s22], [sflag:$0x5], $0x80, s20, s14, $0xb8;
	[tilespmem:$0x1E880] =	vst v63  }
0x88: {  	_ =	swait.ge [sflag:s16], $0x4000  }
0x89: {  	s6 =	simm.s32 @!p0 $0x2700;
	[sflag:s16] =	ssyncset.done $0x0  }
0x8a: {  	s13 =	simm.s32 @!p0 $0x5;
	s0 =	simm.s32 @!p0 $0x0;
	[sflag:s16] =	ssyncadd.s32 $0xFFFFC000  }
0x8b: {  	[tilespmem:s6], [sflag:$0x5] =	stream.linear.gather @!p0 [hbm4b:s9+s0], $0x80, $0x38;
	[tilespmem:$0x1E880] =	vst v63  }
0x8c: {  	_ =	swait.ge @!p0 [sflag:s13], $0x80  }
0x8d: {  	[sflag:s13] =	ssyncset.done @!p0 $0x0  }
0x8e: {  	s15 =	simm.s32 @!p0 $0x2780;
	[sflag:s13] =	ssyncadd.s32 @!p0 $0xFFFFFF80  }
0x8f: {  	[tilespmem:s15], [sflag:$0x5] =	stream.linear.gather @!p0 [hbm4b:s10+s0], $0x80, $0x38;
	[tilespmem:$0x1E880] =	vst v63  }
0x90: {  	_ =	swait.ge @!p0 [sflag:s13], $0x80  }
0x91: {  	[sflag:s13] =	ssyncset.done @!p0 $0x0  }
0x92: {  	s28 =	simm.s32 @!p0 $0x2880;
	s0 =	simm.s32 @!p0 $0x80;
	[sflag:s13] =	ssyncadd.s32 @!p0 $0xFFFFFF80  }
0x93: {  	[tilespmem:s28], [sflag:$0x1] =	stream.indirect.gather @!p0 [hbm4b:s4+s0], $0x80, s6, s0, $0xb8;
	[tilespmem:$0x1E880] =	vst v63  }
0x94: {  	s6 =	simm.s32 @!p0 $0x1  }
0x95: {  	_ =	swait.ge @!p0 [sflag:s6], $0x4000  }
0x96: {  	[sflag:s6] =	ssyncset.done @!p0 $0x0  }
0x97: {  	[sflag:s6] =	ssyncadd.s32 @!p0 $0xFFFFC000  }
0x98: {  	[spmem:s2] =	stream.indirect.scatter.add.f32 @!p0 [tilespmem:s28], [sflag:$0x5], $0x80, s15, s0, $0xb8;
	[tilespmem:$0x1E880] =	vst v63  }
0x99: {  	_ =	swait.ge @!p0 [sflag:s13], $0x4000  }
0x9a: {  	s29 =	sadd.s32 $0x1, s29;
	[sflag:s13] =	ssyncset.done @!p0 $0x0  }
0x9b: {  	p1 =	sne.s32 s29, s12;
	[sflag:s13] =	ssyncadd.s32 @!p0 $0xFFFFC000  }
.Ltmp1:
0x9c: {  	[bflag:$0x0] =	sbarrier.arrive $0xFFFF;
	(pc) =	sbr.rel @p1 .LBB2_1-.Ltmp1, $4  }
0x9d: {  	[hbm:s11], [sflag:s17] =	dma.local [spmem:s18], $0x2800  }
0x9e: {  	_ =	swait.ge [sflag:s16], $0x2800  }
0x9f: {  	[sflag:s16] =	ssyncset.done $0x0  }
0xa0: {  	[sflag:s16] =	ssyncadd.s32 $0xFFFFD800  }
0xa1: {  	_ =	sfence.sel $0x180000  }
0xa2: {  	[bflag:$0x0] =	sbarrier.arrive $0xFFFF  }
0xa3: {  	_ =	strace $0x9000004A  }
0xa4: {  	s0 =	stileid.u32;
	[bflag:$0x2] =	sbarrier.arrive $0xFFFF  }
0xa5: {  	p0 =	sne.s32 s0, $0x0;
	s0 =	rddreg [dreg:$0x4]  }
0xa6: {  	s0 =	sadd.s32 @!p0 $0x100000, s0  }
0xa7: {  	[sflag:s0] =	ssyncadd.tile.s32 @!p0 $0x1;
	_ =	shalt  }
.Lfunc_end2:
_tile_overlayer_lowered:
.L_overlay_start_2:
0xa8: {  	(tag) =	ssettag $0x2  }
0xa9: {  	s0 =	rddreg [dreg:$0x0];
	s2 =	stileid.u32  }
0xaa: {  	s1 =	rddreg [dreg:$0x1];
	p0 =	sne.s32 s2, $0x0  }
0xab: {  	s3 =	rddreg [dreg:$0x2];
	[bflag:$0x3] =	sbarrier.arrive $0xFFFF;
	s2 =	simm.s32 @!p0 $0x1C05  }
0xac: {  	[timem:s3], [sflag:s2] =	dma.local @!p0 [hbm:s0], s1  }
0xad: {  	s0 =	simm.s32 @!p0 $0x5  }
0xae: {  	_ =	swait.ge @!p0 [sflag:s0], s1  }
0xaf: {  	s1 =	ssub.s32 @!p0 $0x0, s1;
	[sflag:s0] =	ssyncset.done @!p0 $0x0  }
0xb0: {  	[sflag:s0] =	ssyncadd.s32 @!p0 s1  }
0xb1: {  	[bflag:$0x3] =	sbarrier.arrive $0xFFFF  }
0xb2: {  	_ =	shalt  }

</sc_bundles>
